<compile_context>
chip_gen: v7x
topology: tpu7x:2x2x1
jax: 0.10.2.dev20260603
libtpu: 0.0.44.dev20260713+nightly
codegen_flags: <defaults>
</compile_context>

<pallas_src>
import functools

import jax
import jax.numpy as jnp
from jax import lax
from jax.experimental import pallas as pl
from jax.experimental.pallas import tpu as pltpu
from jax.experimental.pallas import tpu_sc as plsc

_NUM_CORES = 2
_NUM_SUBCORES = 16
_NUM_WORKERS = _NUM_CORES * _NUM_SUBCORES
_CHUNK = 32
_NBUF = 3


def _emb_kernel(n_chunks, chunk, n_per_w, w_per_row, ids_hbm, table_hbm,
                out_hbm, idx_v, rows_a, rows_b, rows_c,
                gsem_a, gsem_b, gsem_c, ssem_a, ssem_b, ssem_c):
    cid = lax.axis_index("c")
    sid = lax.axis_index("s")
    wid = sid * _NUM_CORES + cid
    base = wid * n_per_w

    head = 4 * chunk
    row = wid // w_per_row
    col = (wid % w_per_row) * n_per_w
    pltpu.sync_copy(ids_hbm.at[row, pl.ds(col, head)],
                    idx_v.at[pl.ds(0, head)])

    bufs = (rows_a, rows_b, rows_c)
    gsems = (gsem_a, gsem_b, gsem_c)
    ssems = (ssem_a, ssem_b, ssem_c)

    def gather(c, b):
        start = pl.multiple_of(c * chunk, chunk)
        pltpu.async_copy(
            table_hbm.at[idx_v.at[pl.ds(start, chunk)]], bufs[b], gsems[b])

    def wait_gather(b):
        pltpu.make_async_copy(
            table_hbm.at[idx_v.at[pl.ds(0, chunk)]], bufs[b], gsems[b]).wait()

    def store(c, b):
        pltpu.async_copy(
            bufs[b], out_hbm.at[pl.ds(base + c * chunk, chunk)], ssems[b])

    def wait_store(b):
        pltpu.make_async_copy(
            bufs[b], out_hbm.at[pl.ds(base, chunk)], ssems[b]).wait()

    for b in range(_NBUF):
        gather(b, b)
    rest = pl.multiple_of(col + head, head)
    pltpu.sync_copy(ids_hbm.at[row, pl.ds(rest, n_per_w - head)],
                    idx_v.at[pl.ds(head, n_per_w - head)])
    wait_gather(0)
    store(0, 0)

    @pl.loop(1, n_chunks - _NBUF, step=_NBUF)
    def _(c0):
        for j in range(_NBUF):
            c = c0 + j
            b = (j + 1) % _NBUF
            bp = j
            wait_store(bp)
            gather(c + 2, bp)
            wait_gather(b)
            store(c, b)

    c = n_chunks - 3
    wait_store((c - 1) % _NBUF)
    gather(n_chunks - 1, (n_chunks - 1) % _NBUF)
    wait_gather(c % _NBUF)
    store(c, c % _NBUF)
    for c in range(n_chunks - 2, n_chunks):
        wait_gather(c % _NBUF)
        store(c, c % _NBUF)
    for c in range(n_chunks - 3, n_chunks):
        wait_store(c % _NBUF)


def kernel(token_ids, table):
    b, t = token_ids.shape
    v, d = table.shape
    n = b * t
    n_per_w = n // _NUM_WORKERS
    chunk = _CHUNK
    n_chunks = n_per_w // chunk

    ids = token_ids.astype(jnp.int32)
    w_per_row = t // n_per_w

    mesh = plsc.VectorSubcoreMesh(core_axis_name="c", subcore_axis_name="s")
    emb = functools.partial(
        pl.kernel,
        mesh=mesh,
        out_type=jax.ShapeDtypeStruct((n, d), jnp.float32),
        scratch_types=[
            pltpu.VMEM((n_per_w,), jnp.int32),
            pltpu.VMEM((chunk, d), jnp.float32),
            pltpu.VMEM((chunk, d), jnp.float32),
            pltpu.VMEM((chunk, d), jnp.float32),
            pltpu.SemaphoreType.DMA,
            pltpu.SemaphoreType.DMA,
            pltpu.SemaphoreType.DMA,
            pltpu.SemaphoreType.DMA,
            pltpu.SemaphoreType.DMA,
            pltpu.SemaphoreType.DMA,
        ],
    )(functools.partial(_emb_kernel, n_chunks, chunk, n_per_w, w_per_row))

    out = emb(ids, table)
    return out.reshape(b, t, d)

# --- scband reference (transcript-rebuilt; emitter-appended) ---
"""Pipeline reference for scband-token-embedding-18468359373096 (READ-ONLY COPY).

The authoritative reference and input builder live on the scoring server;
editing this copy changes nothing except your own understanding.
"""

import jax, jax.numpy as jnp
import numpy as np

VOCAB = 100000
D_MODEL = 1024
B, T = 4, 4096

def setup_inputs(seed: int = 0) -> dict:
    key = jax.random.key(seed)
    k_idx, k_tab = jax.random.split(key)
    token_ids = jax.random.randint(k_idx, (B, T), 0, VOCAB, dtype=jnp.int64 if jax.config.jax_enable_x64 else jnp.int32)
    table = jax.random.normal(k_tab, (VOCAB, D_MODEL), dtype=jnp.float32) * 0.02
    return {"token_ids": token_ids, "table": table}

def reference(token_ids, table):
    # nn.Embedding forward: gather rows of the table by token id
    return jnp.take(table, token_ids, axis=0)  # (B, T, D)

if __name__ == "__main__":
    import jax
    _d = setup_inputs()
    print(jax.jit(kernel)(*tuple(_d.values())))

</pallas_src>

<mosaic_0001>
#map = affine_map<(d0, d1) -> (0, 0)>
module attributes {stable_mosaic.version = 14 : i64} {
  func.func @_emb_kernel(%arg0: i32, %arg1: i32, %arg2: memref<4x4096xi32, #tpu.memory_space<hbm>>, %arg3: memref<100000x1024xf32, #tpu.memory_space<hbm>>, %arg4: memref<16384x1024xf32, #tpu.memory_space<hbm>>, %arg5: memref<512xi32, #tpu.memory_space<vmem>>, %arg6: memref<32x1024xf32, #tpu.memory_space<vmem>>, %arg7: memref<32x1024xf32, #tpu.memory_space<vmem>>, %arg8: memref<32x1024xf32, #tpu.memory_space<vmem>>, %arg9: memref<!tpu.dma_semaphore, #tpu.memory_space<semaphore_mem>>, %arg10: memref<!tpu.dma_semaphore, #tpu.memory_space<semaphore_mem>>, %arg11: memref<!tpu.dma_semaphore, #tpu.memory_space<semaphore_mem>>, %arg12: memref<!tpu.dma_semaphore, #tpu.memory_space<semaphore_mem>>, %arg13: memref<!tpu.dma_semaphore, #tpu.memory_space<semaphore_mem>>, %arg14: memref<!tpu.dma_semaphore, #tpu.memory_space<semaphore_mem>>) attributes {dimension_semantics = [#tpu.dimension_semantics<core_parallel>, #tpu.dimension_semantics<subcore_parallel>], iteration_bounds = array<i64: 2, 16>, scalar_prefetch = 0 : i64, scratch_operands = 10 : i64, tpu.core_type = #tpu.core_type<sc_vector_subcore>, window_params = [{transform_indices = #map}, {transform_indices = #map}, {transform_indices = #map}]} {
    %mul3A = arith.constant 2 : i32
    %mul3A_0 = arith.muli %arg1, %mul3A : i32
    %add3A = arith.addi %mul3A_0, %arg0 : i32
    %mul3A_1 = arith.constant 512 : i32
    %mul3A_2 = arith.muli %add3A, %mul3A_1 : i32
    %jit3A = arith.constant 8 : i32
    %div3A = arith.divsi %add3A, %jit3A : i32
    %sign3A = arith.constant 0 : i32
    %sign3A_3 = arith.cmpi sgt, %add3A, %sign3A : i32
    %sign3A_4 = arith.extui %sign3A_3 : i1 to i32
    %sign3A_5 = arith.constant 0 : i32
    %sign3A_6 = arith.cmpi slt, %add3A, %sign3A_5 : i32
    %sign3A_7 = arith.extui %sign3A_6 : i1 to i32
    %sign3A_8 = arith.subi %sign3A_4, %sign3A_7 : i32
    %sign3A_9 = arith.constant 0 : i32
    %sign3A_10 = arith.cmpi sgt, %jit3A, %sign3A_9 : i32
    %sign3A_11 = arith.extui %sign3A_10 : i1 to i32
    %sign3A_12 = arith.constant 0 : i32
    %sign3A_13 = arith.cmpi slt, %jit3A, %sign3A_12 : i32
    %sign3A_14 = arith.extui %sign3A_13 : i1 to i32
    %sign3A_15 = arith.subi %sign3A_11, %sign3A_14 : i32
    %ne3A = arith.cmpi ne, %sign3A_8, %sign3A_15 : i32
    %rem3A = arith.remsi %add3A, %jit3A : i32
    %ne3A_16 = arith.constant 0 : i32
    %ne3A_17 = arith.cmpi ne, %rem3A, %ne3A_16 : i32
    %and3A = arith.andi %ne3A, %ne3A_17 : i1
    %sub3A = arith.constant 1 : i32
    %sub3A_18 = arith.subi %div3A, %sub3A : i32
    %select_n3A = arith.select %and3A, %sub3A_18, %div3A : i32
    %jit3A_19 = arith.constant 8 : i32
    %eq3A = arith.constant 0 : i32
    %eq3A_20 = arith.cmpi eq, %jit3A_19, %eq3A : i32
    %jit3A_21 = arith.constant 1 : i32
    %select_n3A_22 = arith.select %eq3A_20, %jit3A_21, %jit3A_19 : i32
    %rem3A_23 = arith.remsi %add3A, %select_n3A_22 : i32
    %ne3A_24 = arith.constant 0 : i32
    %ne3A_25 = arith.cmpi ne, %rem3A_23, %ne3A_24 : i32
    %lt3A = arith.constant 0 : i32
    %lt3A_26 = arith.cmpi slt, %rem3A_23, %lt3A : i32
    %lt3A_27 = arith.constant 0 : i32
    %lt3A_28 = arith.cmpi slt, %select_n3A_22, %lt3A_27 : i32
    %ne3A_29 = arith.xori %lt3A_26, %lt3A_28 : i1
    %and3A_30 = arith.andi %ne3A_29, %ne3A_25 : i1
    %add3A_31 = arith.addi %rem3A_23, %select_n3A_22 : i32
    %select_n3A_32 = arith.select %and3A_30, %add3A_31, %rem3A_23 : i32
    %mul3A_33 = arith.constant 512 : i32
    %mul3A_34 = arith.muli %select_n3A_32, %mul3A_33 : i32
    "tpu.region"() ({
      %run_scoped3A = tpu.sem_alloc : memref<!tpu.dma_semaphore, #tpu.memory_space<semaphore_mem>>
      %dma_start3A_123 = arith.constant 0 : i32
      %dma_start3A_124 = tpu.memref_slice %arg5[%dma_start3A_123] : memref<512xi32, #tpu.memory_space<vmem>> -> memref<128xi32, #tpu.memory_space<vmem>>
      %dma_start3A_125 = tpu.memref_slice %arg2[%select_n3A, %mul3A_34] : memref<4x4096xi32, #tpu.memory_space<hbm>> -> memref<1x128xi32, #tpu.memory_space<hbm>>
      %dma_start3A_126 = tpu.memref_squeeze %dma_start3A_125 : memref<1x128xi32, #tpu.memory_space<hbm>> -> memref<128xi32, #tpu.memory_space<hbm>>
      %dma_start3A_127 = arith.constant 0 : i32
      %dma_start3A_128 = tpu.memref_slice %arg5[%dma_start3A_127] : memref<512xi32, #tpu.memory_space<vmem>> -> memref<128xi32, #tpu.memory_space<vmem>>
      %dma_start3A_129 = tpu.memref_slice %arg2[%select_n3A, %mul3A_34] : memref<4x4096xi32, #tpu.memory_space<hbm>> -> memref<1x128xi32, #tpu.memory_space<hbm>>
      %dma_start3A_130 = tpu.memref_squeeze %dma_start3A_129 : memref<1x128xi32, #tpu.memory_space<hbm>> -> memref<128xi32, #tpu.memory_space<hbm>>
      tpu.enqueue_dma source(%dma_start3A_130 : memref<128xi32, #tpu.memory_space<hbm>>) target(%dma_start3A_128 : memref<128xi32, #tpu.memory_space<vmem>>) target_semaphore(%run_scoped3A : memref<!tpu.dma_semaphore, #tpu.memory_space<semaphore_mem>>)
      %dma_wait3A_131 = arith.constant 0 : i32
      %dma_wait3A_132 = tpu.memref_slice %arg5[%dma_wait3A_131] : memref<512xi32, #tpu.memory_space<vmem>> -> memref<128xi32, #tpu.memory_space<vmem>>
      %dma_wait3A_133 = tpu.memref_slice %arg2[%select_n3A, %mul3A_34] : memref<4x4096xi32, #tpu.memory_space<hbm>> -> memref<1x128xi32, #tpu.memory_space<hbm>>
      %dma_wait3A_134 = tpu.memref_squeeze %dma_wait3A_133 : memref<1x128xi32, #tpu.memory_space<hbm>> -> memref<128xi32, #tpu.memory_space<hbm>>
      %dma_wait3A_135 = arith.constant 0 : i32
      %dma_wait3A_136 = tpu.memref_slice %arg5[%dma_wait3A_135] : memref<512xi32, #tpu.memory_space<vmem>> -> memref<128xi32, #tpu.memory_space<vmem>>
      %dma_wait3A_137 = tpu.memref_slice %arg2[%select_n3A, %mul3A_34] : memref<4x4096xi32, #tpu.memory_space<hbm>> -> memref<1x128xi32, #tpu.memory_space<hbm>>
      %dma_wait3A_138 = tpu.memref_squeeze %dma_wait3A_137 : memref<1x128xi32, #tpu.memory_space<hbm>> -> memref<128xi32, #tpu.memory_space<hbm>>
      tpu.wait_dma2 semaphore(%run_scoped3A : memref<!tpu.dma_semaphore, #tpu.memory_space<semaphore_mem>>) src(%dma_wait3A_138 : memref<128xi32, #tpu.memory_space<hbm>>) dst(%dma_wait3A_136 : memref<128xi32, #tpu.memory_space<vmem>>)
      tpu.yield
    }) : () -> ()
    %multiple_of3A = arith.constant 0 : i32
    %multiple_of3A_35 = tpu.assume_multiple %multiple_of3A, 32 : i32
    %dma_start3A = tpu.memref_slice %arg5[%multiple_of3A_35] : memref<512xi32, #tpu.memory_space<vmem>> -> memref<32xi32, #tpu.memory_space<vmem>>
    %dma_start3A_36 = arith.constant 0 : i32
    %dma_start3A_37 = arith.constant 0 : i32
    %dma_start3A_38 = tpu.memref_slice %arg3[%dma_start3A_36, %dma_start3A_37] : memref<100000x1024xf32, #tpu.memory_space<hbm>> -> memref<100000x1024xf32, #tpu.memory_space<hbm>>
    tpu.enqueue_indirect_dma source(%dma_start3A_38 : memref<100000x1024xf32, #tpu.memory_space<hbm>>) target(%arg6 : memref<32x1024xf32, #tpu.memory_space<vmem>>) offsets(%dma_start3A : memref<32xi32, #tpu.memory_space<vmem>>) semaphore(%arg9 : memref<!tpu.dma_semaphore, #tpu.memory_space<semaphore_mem>>)
    %multiple_of3A_39 = arith.constant 32 : i32
    %multiple_of3A_40 = tpu.assume_multiple %multiple_of3A_39, 32 : i32
    %dma_start3A_41 = tpu.memref_slice %arg5[%multiple_of3A_40] : memref<512xi32, #tpu.memory_space<vmem>> -> memref<32xi32, #tpu.memory_space<vmem>>
    %dma_start3A_42 = arith.constant 0 : i32
    %dma_start3A_43 = arith.constant 0 : i32
    %dma_start3A_44 = tpu.memref_slice %arg3[%dma_start3A_42, %dma_start3A_43] : memref<100000x1024xf32, #tpu.memory_space<hbm>> -> memref<100000x1024xf32, #tpu.memory_space<hbm>>
    tpu.enqueue_indirect_dma source(%dma_start3A_44 : memref<100000x1024xf32, #tpu.memory_space<hbm>>) target(%arg7 : memref<32x1024xf32, #tpu.memory_space<vmem>>) offsets(%dma_start3A_41 : memref<32xi32, #tpu.memory_space<vmem>>) semaphore(%arg10 : memref<!tpu.dma_semaphore, #tpu.memory_space<semaphore_mem>>)
    %multiple_of3A_45 = arith.constant 64 : i32
    %multiple_of3A_46 = tpu.assume_multiple %multiple_of3A_45, 32 : i32
    %dma_start3A_47 = tpu.memref_slice %arg5[%multiple_of3A_46] : memref<512xi32, #tpu.memory_space<vmem>> -> memref<32xi32, #tpu.memory_space<vmem>>
    %dma_start3A_48 = arith.constant 0 : i32
    %dma_start3A_49 = arith.constant 0 : i32
    %dma_start3A_50 = tpu.memref_slice %arg3[%dma_start3A_48, %dma_start3A_49] : memref<100000x1024xf32, #tpu.memory_space<hbm>> -> memref<100000x1024xf32, #tpu.memory_space<hbm>>
    tpu.enqueue_indirect_dma source(%dma_start3A_50 : memref<100000x1024xf32, #tpu.memory_space<hbm>>) target(%arg8 : memref<32x1024xf32, #tpu.memory_space<vmem>>) offsets(%dma_start3A_47 : memref<32xi32, #tpu.memory_space<vmem>>) semaphore(%arg11 : memref<!tpu.dma_semaphore, #tpu.memory_space<semaphore_mem>>)
    %add3A_51 = arith.constant 128 : i32
    %add3A_52 = arith.addi %mul3A_34, %add3A_51 : i32
    %multiple_of3A_53 = tpu.assume_multiple %add3A_52, 128 : i32
    "tpu.region"() ({
      %run_scoped3A = tpu.sem_alloc : memref<!tpu.dma_semaphore, #tpu.memory_space<semaphore_mem>>
      %dma_start3A_123 = arith.constant 128 : i32
      %dma_start3A_124 = tpu.memref_slice %arg5[%dma_start3A_123] : memref<512xi32, #tpu.memory_space<vmem>> -> memref<384xi32, #tpu.memory_space<vmem>>
      %dma_start3A_125 = tpu.memref_slice %arg2[%select_n3A, %multiple_of3A_53] : memref<4x4096xi32, #tpu.memory_space<hbm>> -> memref<1x384xi32, #tpu.memory_space<hbm>>
      %dma_start3A_126 = tpu.memref_squeeze %dma_start3A_125 : memref<1x384xi32, #tpu.memory_space<hbm>> -> memref<384xi32, #tpu.memory_space<hbm>>
      %dma_start3A_127 = arith.constant 128 : i32
      %dma_start3A_128 = tpu.memref_slice %arg5[%dma_start3A_127] : memref<512xi32, #tpu.memory_space<vmem>> -> memref<384xi32, #tpu.memory_space<vmem>>
      %dma_start3A_129 = tpu.memref_slice %arg2[%select_n3A, %multiple_of3A_53] : memref<4x4096xi32, #tpu.memory_space<hbm>> -> memref<1x384xi32, #tpu.memory_space<hbm>>
      %dma_start3A_130 = tpu.memref_squeeze %dma_start3A_129 : memref<1x384xi32, #tpu.memory_space<hbm>> -> memref<384xi32, #tpu.memory_space<hbm>>
      tpu.enqueue_dma source(%dma_start3A_130 : memref<384xi32, #tpu.memory_space<hbm>>) target(%dma_start3A_128 : memref<384xi32, #tpu.memory_space<vmem>>) target_semaphore(%run_scoped3A : memref<!tpu.dma_semaphore, #tpu.memory_space<semaphore_mem>>)
      %dma_wait3A_131 = arith.constant 128 : i32
      %dma_wait3A_132 = tpu.memref_slice %arg5[%dma_wait3A_131] : memref<512xi32, #tpu.memory_space<vmem>> -> memref<384xi32, #tpu.memory_space<vmem>>
      %dma_wait3A_133 = tpu.memref_slice %arg2[%select_n3A, %multiple_of3A_53] : memref<4x4096xi32, #tpu.memory_space<hbm>> -> memref<1x384xi32, #tpu.memory_space<hbm>>
      %dma_wait3A_134 = tpu.memref_squeeze %dma_wait3A_133 : memref<1x384xi32, #tpu.memory_space<hbm>> -> memref<384xi32, #tpu.memory_space<hbm>>
      %dma_wait3A_135 = arith.constant 128 : i32
      %dma_wait3A_136 = tpu.memref_slice %arg5[%dma_wait3A_135] : memref<512xi32, #tpu.memory_space<vmem>> -> memref<384xi32, #tpu.memory_space<vmem>>
      %dma_wait3A_137 = tpu.memref_slice %arg2[%select_n3A, %multiple_of3A_53] : memref<4x4096xi32, #tpu.memory_space<hbm>> -> memref<1x384xi32, #tpu.memory_space<hbm>>
      %dma_wait3A_138 = tpu.memref_squeeze %dma_wait3A_137 : memref<1x384xi32, #tpu.memory_space<hbm>> -> memref<384xi32, #tpu.memory_space<hbm>>
      tpu.wait_dma2 semaphore(%run_scoped3A : memref<!tpu.dma_semaphore, #tpu.memory_space<semaphore_mem>>) src(%dma_wait3A_138 : memref<384xi32, #tpu.memory_space<hbm>>) dst(%dma_wait3A_136 : memref<384xi32, #tpu.memory_space<vmem>>)
      tpu.yield
    }) : () -> ()
    %dma_wait3A = arith.constant 0 : i32
    %dma_wait3A_54 = tpu.memref_slice %arg5[%dma_wait3A] : memref<512xi32, #tpu.memory_space<vmem>> -> memref<32xi32, #tpu.memory_space<vmem>>
    %dma_wait3A_55 = arith.constant 0 : i32
    %dma_wait3A_56 = arith.constant 0 : i32
    %dma_wait3A_57 = tpu.memref_slice %arg3[%dma_wait3A_55, %dma_wait3A_56] : memref<100000x1024xf32, #tpu.memory_space<hbm>> -> memref<100000x1024xf32, #tpu.memory_space<hbm>>
    tpu.wait_indirect_dma semaphore(%arg9 : memref<!tpu.dma_semaphore, #tpu.memory_space<semaphore_mem>>) src(%dma_wait3A_57 : memref<100000x1024xf32, #tpu.memory_space<hbm>>) dst(%arg6 : memref<32x1024xf32, #tpu.memory_space<vmem>>)
    %add3A_58 = arith.constant 0 : i32
    %add3A_59 = arith.addi %mul3A_2, %add3A_58 : i32
    %dma_start3A_60 = arith.constant 0 : i32
    %dma_start3A_61 = tpu.memref_slice %arg4[%add3A_59, %dma_start3A_60] : memref<16384x1024xf32, #tpu.memory_space<hbm>> -> memref<32x1024xf32, #tpu.memory_space<hbm>>
    %dma_start3A_62 = arith.constant 0 : i32
    %dma_start3A_63 = tpu.memref_slice %arg4[%add3A_59, %dma_start3A_62] : memref<16384x1024xf32, #tpu.memory_space<hbm>> -> memref<32x1024xf32, #tpu.memory_space<hbm>>
    tpu.enqueue_dma source(%arg6 : memref<32x1024xf32, #tpu.memory_space<vmem>>) target(%dma_start3A_63 : memref<32x1024xf32, #tpu.memory_space<hbm>>) target_semaphore(%arg12 : memref<!tpu.dma_semaphore, #tpu.memory_space<semaphore_mem>>)
    %scan3A = arith.constant 0 : i32
    %scan3A_64 = arith.constant 4 : i32
    %scan3A_65 = arith.addi %scan3A, %scan3A_64 : i32
    %scan3A_66 = arith.constant 1 : i32
    scf.for %scan3A_123 = %scan3A to %scan3A_65 step %scan3A_66  : i32 {
      %mul3A_124 = arith.constant 3 : i32
      %mul3A_125 = arith.muli %scan3A_123, %mul3A_124 : i32
      %add3A_126 = arith.constant 1 : i32
      %add3A_127 = arith.addi %add3A_126, %mul3A_125 : i32
      %add3A_128 = arith.constant 0 : i32
      %add3A_129 = arith.addi %add3A_127, %add3A_128 : i32
      %dma_wait3A_130 = arith.constant 0 : i32
      %dma_wait3A_131 = tpu.memref_slice %arg4[%mul3A_2, %dma_wait3A_130] : memref<16384x1024xf32, #tpu.memory_space<hbm>> -> memref<32x1024xf32, #tpu.memory_space<hbm>>
      %dma_wait3A_132 = arith.constant 0 : i32
      %dma_wait3A_133 = tpu.memref_slice %arg4[%mul3A_2, %dma_wait3A_132] : memref<16384x1024xf32, #tpu.memory_space<hbm>> -> memref<32x1024xf32, #tpu.memory_space<hbm>>
      tpu.wait_dma2 semaphore(%arg12 : memref<!tpu.dma_semaphore, #tpu.memory_space<semaphore_mem>>) src(%arg6 : memref<32x1024xf32, #tpu.memory_space<vmem>>) dst(%dma_wait3A_133 : memref<32x1024xf32, #tpu.memory_space<hbm>>)
      %add3A_134 = arith.constant 2 : i32
      %add3A_135 = arith.addi %add3A_129, %add3A_134 : i32
      %mul3A_136 = arith.constant 32 : i32
      %mul3A_137 = arith.muli %add3A_135, %mul3A_136 : i32
      %multiple_of3A_138 = tpu.assume_multiple %mul3A_137, 32 : i32
      %dma_start3A_139 = tpu.memref_slice %arg5[%multiple_of3A_138] : memref<512xi32, #tpu.memory_space<vmem>> -> memref<32xi32, #tpu.memory_space<vmem>>
      %dma_start3A_140 = arith.constant 0 : i32
      %dma_start3A_141 = arith.constant 0 : i32
      %dma_start3A_142 = tpu.memref_slice %arg3[%dma_start3A_140, %dma_start3A_141] : memref<100000x1024xf32, #tpu.memory_space<hbm>> -> memref<100000x1024xf32, #tpu.memory_space<hbm>>
      tpu.enqueue_indirect_dma source(%dma_start3A_142 : memref<100000x1024xf32, #tpu.memory_space<hbm>>) target(%arg6 : memref<32x1024xf32, #tpu.memory_space<vmem>>) offsets(%dma_start3A_139 : memref<32xi32, #tpu.memory_space<vmem>>) semaphore(%arg9 : memref<!tpu.dma_semaphore, #tpu.memory_space<semaphore_mem>>)
      %dma_wait3A_143 = arith.constant 0 : i32
      %dma_wait3A_144 = tpu.memref_slice %arg5[%dma_wait3A_143] : memref<512xi32, #tpu.memory_space<vmem>> -> memref<32xi32, #tpu.memory_space<vmem>>
      %dma_wait3A_145 = arith.constant 0 : i32
      %dma_wait3A_146 = arith.constant 0 : i32
      %dma_wait3A_147 = tpu.memref_slice %arg3[%dma_wait3A_145, %dma_wait3A_146] : memref<100000x1024xf32, #tpu.memory_space<hbm>> -> memref<100000x1024xf32, #tpu.memory_space<hbm>>
      tpu.wait_indirect_dma semaphore(%arg10 : memref<!tpu.dma_semaphore, #tpu.memory_space<semaphore_mem>>) src(%dma_wait3A_147 : memref<100000x1024xf32, #tpu.memory_space<hbm>>) dst(%arg7 : memref<32x1024xf32, #tpu.memory_space<vmem>>)
      %mul3A_148 = arith.constant 32 : i32
      %mul3A_149 = arith.muli %add3A_129, %mul3A_148 : i32
      %add3A_150 = arith.addi %mul3A_2, %mul3A_149 : i32
      %dma_start3A_151 = arith.constant 0 : i32
      %dma_start3A_152 = tpu.memref_slice %arg4[%add3A_150, %dma_start3A_151] : memref<16384x1024xf32, #tpu.memory_space<hbm>> -> memref<32x1024xf32, #tpu.memory_space<hbm>>
      %dma_start3A_153 = arith.constant 0 : i32
      %dma_start3A_154 = tpu.memref_slice %arg4[%add3A_150, %dma_start3A_153] : memref<16384x1024xf32, #tpu.memory_space<hbm>> -> memref<32x1024xf32, #tpu.memory_space<hbm>>
      tpu.enqueue_dma source(%arg7 : memref<32x1024xf32, #tpu.memory_space<vmem>>) target(%dma_start3A_154 : memref<32x1024xf32, #tpu.memory_space<hbm>>) target_semaphore(%arg13 : memref<!tpu.dma_semaphore, #tpu.memory_space<semaphore_mem>>)
      %add3A_155 = arith.constant 1 : i32
      %add3A_156 = arith.addi %add3A_127, %add3A_155 : i32
      %dma_wait3A_157 = arith.constant 0 : i32
      %dma_wait3A_158 = tpu.memref_slice %arg4[%mul3A_2, %dma_wait3A_157] : memref<16384x1024xf32, #tpu.memory_space<hbm>> -> memref<32x1024xf32, #tpu.memory_space<hbm>>
      %dma_wait3A_159 = arith.constant 0 : i32
      %dma_wait3A_160 = tpu.memref_slice %arg4[%mul3A_2, %dma_wait3A_159] : memref<16384x1024xf32, #tpu.memory_space<hbm>> -> memref<32x1024xf32, #tpu.memory_space<hbm>>
      tpu.wait_dma2 semaphore(%arg13 : memref<!tpu.dma_semaphore, #tpu.memory_space<semaphore_mem>>) src(%arg7 : memref<32x1024xf32, #tpu.memory_space<vmem>>) dst(%dma_wait3A_160 : memref<32x1024xf32, #tpu.memory_space<hbm>>)
      %add3A_161 = arith.constant 2 : i32
      %add3A_162 = arith.addi %add3A_156, %add3A_161 : i32
      %mul3A_163 = arith.constant 32 : i32
      %mul3A_164 = arith.muli %add3A_162, %mul3A_163 : i32
      %multiple_of3A_165 = tpu.assume_multiple %mul3A_164, 32 : i32
      %dma_start3A_166 = tpu.memref_slice %arg5[%multiple_of3A_165] : memref<512xi32, #tpu.memory_space<vmem>> -> memref<32xi32, #tpu.memory_space<vmem>>
      %dma_start3A_167 = arith.constant 0 : i32
      %dma_start3A_168 = arith.constant 0 : i32
      %dma_start3A_169 = tpu.memref_slice %arg3[%dma_start3A_167, %dma_start3A_168] : memref<100000x1024xf32, #tpu.memory_space<hbm>> -> memref<100000x1024xf32, #tpu.memory_space<hbm>>
      tpu.enqueue_indirect_dma source(%dma_start3A_169 : memref<100000x1024xf32, #tpu.memory_space<hbm>>) target(%arg7 : memref<32x1024xf32, #tpu.memory_space<vmem>>) offsets(%dma_start3A_166 : memref<32xi32, #tpu.memory_space<vmem>>) semaphore(%arg10 : memref<!tpu.dma_semaphore, #tpu.memory_space<semaphore_mem>>)
      %dma_wait3A_170 = arith.constant 0 : i32
      %dma_wait3A_171 = tpu.memref_slice %arg5[%dma_wait3A_170] : memref<512xi32, #tpu.memory_space<vmem>> -> memref<32xi32, #tpu.memory_space<vmem>>
      %dma_wait3A_172 = arith.constant 0 : i32
      %dma_wait3A_173 = arith.constant 0 : i32
      %dma_wait3A_174 = tpu.memref_slice %arg3[%dma_wait3A_172, %dma_wait3A_173] : memref<100000x1024xf32, #tpu.memory_space<hbm>> -> memref<100000x1024xf32, #tpu.memory_space<hbm>>
      tpu.wait_indirect_dma semaphore(%arg11 : memref<!tpu.dma_semaphore, #tpu.memory_space<semaphore_mem>>) src(%dma_wait3A_174 : memref<100000x1024xf32, #tpu.memory_space<hbm>>) dst(%arg8 : memref<32x1024xf32, #tpu.memory_space<vmem>>)
      %mul3A_175 = arith.constant 32 : i32
      %mul3A_176 = arith.muli %add3A_156, %mul3A_175 : i32
      %add3A_177 = arith.addi %mul3A_2, %mul3A_176 : i32
      %dma_start3A_178 = arith.constant 0 : i32
      %dma_start3A_179 = tpu.memref_slice %arg4[%add3A_177, %dma_start3A_178] : memref<16384x1024xf32, #tpu.memory_space<hbm>> -> memref<32x1024xf32, #tpu.memory_space<hbm>>
      %dma_start3A_180 = arith.constant 0 : i32
      %dma_start3A_181 = tpu.memref_slice %arg4[%add3A_177, %dma_start3A_180] : memref<16384x1024xf32, #tpu.memory_space<hbm>> -> memref<32x1024xf32, #tpu.memory_space<hbm>>
      tpu.enqueue_dma source(%arg8 : memref<32x1024xf32, #tpu.memory_space<vmem>>) target(%dma_start3A_181 : memref<32x1024xf32, #tpu.memory_space<hbm>>) target_semaphore(%arg14 : memref<!tpu.dma_semaphore, #tpu.memory_space<semaphore_mem>>)
      %add3A_182 = arith.constant 2 : i32
      %add3A_183 = arith.addi %add3A_127, %add3A_182 : i32
      %dma_wait3A_184 = arith.constant 0 : i32
      %dma_wait3A_185 = tpu.memref_slice %arg4[%mul3A_2, %dma_wait3A_184] : memref<16384x1024xf32, #tpu.memory_space<hbm>> -> memref<32x1024xf32, #tpu.memory_space<hbm>>
      %dma_wait3A_186 = arith.constant 0 : i32
      %dma_wait3A_187 = tpu.memref_slice %arg4[%mul3A_2, %dma_wait3A_186] : memref<16384x1024xf32, #tpu.memory_space<hbm>> -> memref<32x1024xf32, #tpu.memory_space<hbm>>
      tpu.wait_dma2 semaphore(%arg14 : memref<!tpu.dma_semaphore, #tpu.memory_space<semaphore_mem>>) src(%arg8 : memref<32x1024xf32, #tpu.memory_space<vmem>>) dst(%dma_wait3A_187 : memref<32x1024xf32, #tpu.memory_space<hbm>>)
      %add3A_188 = arith.constant 2 : i32
      %add3A_189 = arith.addi %add3A_183, %add3A_188 : i32
      %mul3A_190 = arith.constant 32 : i32
      %mul3A_191 = arith.muli %add3A_189, %mul3A_190 : i32
      %multiple_of3A_192 = tpu.assume_multiple %mul3A_191, 32 : i32
      %dma_start3A_193 = tpu.memref_slice %arg5[%multiple_of3A_192] : memref<512xi32, #tpu.memory_space<vmem>> -> memref<32xi32, #tpu.memory_space<vmem>>
      %dma_start3A_194 = arith.constant 0 : i32
      %dma_start3A_195 = arith.constant 0 : i32
      %dma_start3A_196 = tpu.memref_slice %arg3[%dma_start3A_194, %dma_start3A_195] : memref<100000x1024xf32, #tpu.memory_space<hbm>> -> memref<100000x1024xf32, #tpu.memory_space<hbm>>
      tpu.enqueue_indirect_dma source(%dma_start3A_196 : memref<100000x1024xf32, #tpu.memory_space<hbm>>) target(%arg8 : memref<32x1024xf32, #tpu.memory_space<vmem>>) offsets(%dma_start3A_193 : memref<32xi32, #tpu.memory_space<vmem>>) semaphore(%arg11 : memref<!tpu.dma_semaphore, #tpu.memory_space<semaphore_mem>>)
      %dma_wait3A_197 = arith.constant 0 : i32
      %dma_wait3A_198 = tpu.memref_slice %arg5[%dma_wait3A_197] : memref<512xi32, #tpu.memory_space<vmem>> -> memref<32xi32, #tpu.memory_space<vmem>>
      %dma_wait3A_199 = arith.constant 0 : i32
      %dma_wait3A_200 = arith.constant 0 : i32
      %dma_wait3A_201 = tpu.memref_slice %arg3[%dma_wait3A_199, %dma_wait3A_200] : memref<100000x1024xf32, #tpu.memory_space<hbm>> -> memref<100000x1024xf32, #tpu.memory_space<hbm>>
      tpu.wait_indirect_dma semaphore(%arg9 : memref<!tpu.dma_semaphore, #tpu.memory_space<semaphore_mem>>) src(%dma_wait3A_201 : memref<100000x1024xf32, #tpu.memory_space<hbm>>) dst(%arg6 : memref<32x1024xf32, #tpu.memory_space<vmem>>)
      %mul3A_202 = arith.constant 32 : i32
      %mul3A_203 = arith.muli %add3A_183, %mul3A_202 : i32
      %add3A_204 = arith.addi %mul3A_2, %mul3A_203 : i32
      %dma_start3A_205 = arith.constant 0 : i32
      %dma_start3A_206 = tpu.memref_slice %arg4[%add3A_204, %dma_start3A_205] : memref<16384x1024xf32, #tpu.memory_space<hbm>> -> memref<32x1024xf32, #tpu.memory_space<hbm>>
      %dma_start3A_207 = arith.constant 0 : i32
      %dma_start3A_208 = tpu.memref_slice %arg4[%add3A_204, %dma_start3A_207] : memref<16384x1024xf32, #tpu.memory_space<hbm>> -> memref<32x1024xf32, #tpu.memory_space<hbm>>
      tpu.enqueue_dma source(%arg6 : memref<32x1024xf32, #tpu.memory_space<vmem>>) target(%dma_start3A_208 : memref<32x1024xf32, #tpu.memory_space<hbm>>) target_semaphore(%arg12 : memref<!tpu.dma_semaphore, #tpu.memory_space<semaphore_mem>>)
    }
    %scan3A_67 = arith.constant 4 : i32
    %dma_wait3A_68 = arith.constant 0 : i32
    %dma_wait3A_69 = tpu.memref_slice %arg4[%mul3A_2, %dma_wait3A_68] : memref<16384x1024xf32, #tpu.memory_space<hbm>> -> memref<32x1024xf32, #tpu.memory_space<hbm>>
    %dma_wait3A_70 = arith.constant 0 : i32
    %dma_wait3A_71 = tpu.memref_slice %arg4[%mul3A_2, %dma_wait3A_70] : memref<16384x1024xf32, #tpu.memory_space<hbm>> -> memref<32x1024xf32, #tpu.memory_space<hbm>>
    tpu.wait_dma2 semaphore(%arg12 : memref<!tpu.dma_semaphore, #tpu.memory_space<semaphore_mem>>) src(%arg6 : memref<32x1024xf32, #tpu.memory_space<vmem>>) dst(%dma_wait3A_71 : memref<32x1024xf32, #tpu.memory_space<hbm>>)
    %multiple_of3A_72 = arith.constant 480 : i32
    %multiple_of3A_73 = tpu.assume_multiple %multiple_of3A_72, 32 : i32
    %dma_start3A_74 = tpu.memref_slice %arg5[%multiple_of3A_73] : memref<512xi32, #tpu.memory_space<vmem>> -> memref<32xi32, #tpu.memory_space<vmem>>
    %dma_start3A_75 = arith.constant 0 : i32
    %dma_start3A_76 = arith.constant 0 : i32
    %dma_start3A_77 = tpu.memref_slice %arg3[%dma_start3A_75, %dma_start3A_76] : memref<100000x1024xf32, #tpu.memory_space<hbm>> -> memref<100000x1024xf32, #tpu.memory_space<hbm>>
    tpu.enqueue_indirect_dma source(%dma_start3A_77 : memref<100000x1024xf32, #tpu.memory_space<hbm>>) target(%arg6 : memref<32x1024xf32, #tpu.memory_space<vmem>>) offsets(%dma_start3A_74 : memref<32xi32, #tpu.memory_space<vmem>>) semaphore(%arg9 : memref<!tpu.dma_semaphore, #tpu.memory_space<semaphore_mem>>)
    %dma_wait3A_78 = arith.constant 0 : i32
    %dma_wait3A_79 = tpu.memref_slice %arg5[%dma_wait3A_78] : memref<512xi32, #tpu.memory_space<vmem>> -> memref<32xi32, #tpu.memory_space<vmem>>
    %dma_wait3A_80 = arith.constant 0 : i32
    %dma_wait3A_81 = arith.constant 0 : i32
    %dma_wait3A_82 = tpu.memref_slice %arg3[%dma_wait3A_80, %dma_wait3A_81] : memref<100000x1024xf32, #tpu.memory_space<hbm>> -> memref<100000x1024xf32, #tpu.memory_space<hbm>>
    tpu.wait_indirect_dma semaphore(%arg10 : memref<!tpu.dma_semaphore, #tpu.memory_space<semaphore_mem>>) src(%dma_wait3A_82 : memref<100000x1024xf32, #tpu.memory_space<hbm>>) dst(%arg7 : memref<32x1024xf32, #tpu.memory_space<vmem>>)
    %add3A_83 = arith.constant 416 : i32
    %add3A_84 = arith.addi %mul3A_2, %add3A_83 : i32
    %dma_start3A_85 = arith.constant 0 : i32
    %dma_start3A_86 = tpu.memref_slice %arg4[%add3A_84, %dma_start3A_85] : memref<16384x1024xf32, #tpu.memory_space<hbm>> -> memref<32x1024xf32, #tpu.memory_space<hbm>>
    %dma_start3A_87 = arith.constant 0 : i32
    %dma_start3A_88 = tpu.memref_slice %arg4[%add3A_84, %dma_start3A_87] : memref<16384x1024xf32, #tpu.memory_space<hbm>> -> memref<32x1024xf32, #tpu.memory_space<hbm>>
    tpu.enqueue_dma source(%arg7 : memref<32x1024xf32, #tpu.memory_space<vmem>>) target(%dma_start3A_88 : memref<32x1024xf32, #tpu.memory_space<hbm>>) target_semaphore(%arg13 : memref<!tpu.dma_semaphore, #tpu.memory_space<semaphore_mem>>)
    %dma_wait3A_89 = arith.constant 0 : i32
    %dma_wait3A_90 = tpu.memref_slice %arg5[%dma_wait3A_89] : memref<512xi32, #tpu.memory_space<vmem>> -> memref<32xi32, #tpu.memory_space<vmem>>
    %dma_wait3A_91 = arith.constant 0 : i32
    %dma_wait3A_92 = arith.constant 0 : i32
    %dma_wait3A_93 = tpu.memref_slice %arg3[%dma_wait3A_91, %dma_wait3A_92] : memref<100000x1024xf32, #tpu.memory_space<hbm>> -> memref<100000x1024xf32, #tpu.memory_space<hbm>>
    tpu.wait_indirect_dma semaphore(%arg11 : memref<!tpu.dma_semaphore, #tpu.memory_space<semaphore_mem>>) src(%dma_wait3A_93 : memref<100000x1024xf32, #tpu.memory_space<hbm>>) dst(%arg8 : memref<32x1024xf32, #tpu.memory_space<vmem>>)
    %add3A_94 = arith.constant 448 : i32
    %add3A_95 = arith.addi %mul3A_2, %add3A_94 : i32
    %dma_start3A_96 = arith.constant 0 : i32
    %dma_start3A_97 = tpu.memref_slice %arg4[%add3A_95, %dma_start3A_96] : memref<16384x1024xf32, #tpu.memory_space<hbm>> -> memref<32x1024xf32, #tpu.memory_space<hbm>>
    %dma_start3A_98 = arith.constant 0 : i32
    %dma_start3A_99 = tpu.memref_slice %arg4[%add3A_95, %dma_start3A_98] : memref<16384x1024xf32, #tpu.memory_space<hbm>> -> memref<32x1024xf32, #tpu.memory_space<hbm>>
    tpu.enqueue_dma source(%arg8 : memref<32x1024xf32, #tpu.memory_space<vmem>>) target(%dma_start3A_99 : memref<32x1024xf32, #tpu.memory_space<hbm>>) target_semaphore(%arg14 : memref<!tpu.dma_semaphore, #tpu.memory_space<semaphore_mem>>)
    %dma_wait3A_100 = arith.constant 0 : i32
    %dma_wait3A_101 = tpu.memref_slice %arg5[%dma_wait3A_100] : memref<512xi32, #tpu.memory_space<vmem>> -> memref<32xi32, #tpu.memory_space<vmem>>
    %dma_wait3A_102 = arith.constant 0 : i32
    %dma_wait3A_103 = arith.constant 0 : i32
    %dma_wait3A_104 = tpu.memref_slice %arg3[%dma_wait3A_102, %dma_wait3A_103] : memref<100000x1024xf32, #tpu.memory_space<hbm>> -> memref<100000x1024xf32, #tpu.memory_space<hbm>>
    tpu.wait_indirect_dma semaphore(%arg9 : memref<!tpu.dma_semaphore, #tpu.memory_space<semaphore_mem>>) src(%dma_wait3A_104 : memref<100000x1024xf32, #tpu.memory_space<hbm>>) dst(%arg6 : memref<32x1024xf32, #tpu.memory_space<vmem>>)
    %add3A_105 = arith.constant 480 : i32
    %add3A_106 = arith.addi %mul3A_2, %add3A_105 : i32
    %dma_start3A_107 = arith.constant 0 : i32
    %dma_start3A_108 = tpu.memref_slice %arg4[%add3A_106, %dma_start3A_107] : memref<16384x1024xf32, #tpu.memory_space<hbm>> -> memref<32x1024xf32, #tpu.memory_space<hbm>>
    %dma_start3A_109 = arith.constant 0 : i32
    %dma_start3A_110 = tpu.memref_slice %arg4[%add3A_106, %dma_start3A_109] : memref<16384x1024xf32, #tpu.memory_space<hbm>> -> memref<32x1024xf32, #tpu.memory_space<hbm>>
    tpu.enqueue_dma source(%arg6 : memref<32x1024xf32, #tpu.memory_space<vmem>>) target(%dma_start3A_110 : memref<32x1024xf32, #tpu.memory_space<hbm>>) target_semaphore(%arg12 : memref<!tpu.dma_semaphore, #tpu.memory_space<semaphore_mem>>)
    %dma_wait3A_111 = arith.constant 0 : i32
    %dma_wait3A_112 = tpu.memref_slice %arg4[%mul3A_2, %dma_wait3A_111] : memref<16384x1024xf32, #tpu.memory_space<hbm>> -> memref<32x1024xf32, #tpu.memory_space<hbm>>
    %dma_wait3A_113 = arith.constant 0 : i32
    %dma_wait3A_114 = tpu.memref_slice %arg4[%mul3A_2, %dma_wait3A_113] : memref<16384x1024xf32, #tpu.memory_space<hbm>> -> memref<32x1024xf32, #tpu.memory_space<hbm>>
    tpu.wait_dma2 semaphore(%arg13 : memref<!tpu.dma_semaphore, #tpu.memory_space<semaphore_mem>>) src(%arg7 : memref<32x1024xf32, #tpu.memory_space<vmem>>) dst(%dma_wait3A_114 : memref<32x1024xf32, #tpu.memory_space<hbm>>)
    %dma_wait3A_115 = arith.constant 0 : i32
    %dma_wait3A_116 = tpu.memref_slice %arg4[%mul3A_2, %dma_wait3A_115] : memref<16384x1024xf32, #tpu.memory_space<hbm>> -> memref<32x1024xf32, #tpu.memory_space<hbm>>
    %dma_wait3A_117 = arith.constant 0 : i32
    %dma_wait3A_118 = tpu.memref_slice %arg4[%mul3A_2, %dma_wait3A_117] : memref<16384x1024xf32, #tpu.memory_space<hbm>> -> memref<32x1024xf32, #tpu.memory_space<hbm>>
    tpu.wait_dma2 semaphore(%arg14 : memref<!tpu.dma_semaphore, #tpu.memory_space<semaphore_mem>>) src(%arg8 : memref<32x1024xf32, #tpu.memory_space<vmem>>) dst(%dma_wait3A_118 : memref<32x1024xf32, #tpu.memory_space<hbm>>)
    %dma_wait3A_119 = arith.constant 0 : i32
    %dma_wait3A_120 = tpu.memref_slice %arg4[%mul3A_2, %dma_wait3A_119] : memref<16384x1024xf32, #tpu.memory_space<hbm>> -> memref<32x1024xf32, #tpu.memory_space<hbm>>
    %dma_wait3A_121 = arith.constant 0 : i32
    %dma_wait3A_122 = tpu.memref_slice %arg4[%mul3A_2, %dma_wait3A_121] : memref<16384x1024xf32, #tpu.memory_space<hbm>> -> memref<32x1024xf32, #tpu.memory_space<hbm>>
    tpu.wait_dma2 semaphore(%arg12 : memref<!tpu.dma_semaphore, #tpu.memory_space<semaphore_mem>>) src(%arg6 : memref<32x1024xf32, #tpu.memory_space<vmem>>) dst(%dma_wait3A_122 : memref<32x1024xf32, #tpu.memory_space<hbm>>)
    return
  }
}

</mosaic_0001>

<sc_bundles>
// kernel: kernel.3.cloned.1.call-start
scs
__scs_entry_jumppad:
0x0: {  	(pc) =	sbr.rel $0x88, $3  }
0x1: {  	(tag) =	ssettag $0x0;
	lr =	simm.s32 $0x1  }
0x2: {  	[smem:$0x3F9F] =	sst lr;
	_ =	strace $0xD0000000  }
0x3: {  	_ = 	snop  }
0x4: {  	_ = 	snop  }
0x5: {  	_ = 	snop  }
0x6: {  	_ = 	snop  }
0x7: {  	_ = 	snop  }
__scs_overlays_trampoline_lowered:
0x8: {  	[smem:$0x3FAE] =	sst s0  }
0x9: {  	[smem:$0x3FAF] =	sst s1  }
0xa: {  	[smem:$0x3FB0] =	sst s2  }
0xb: {  	[smem:$0x3FB1] =	sst s3  }
0xc: {  	[smem:$0x3FB2] =	sst s4  }
0xd: {  	[smem:$0x3FB3] =	sst s5  }
0xe: {  	[smem:$0x3FB4] =	sst s6  }
0xf: {  	[smem:$0x3FB5] =	sst s7  }
0x10: {  	[smem:$0x3FB6] =	sst s8  }
0x11: {  	[smem:$0x3FB7] =	sst s9;
	s0 =	simm.s32 @!p0 $0x0  }
0x12: {  	s1 =	sld [smem:$0x3F9D];
	s0 =	simm.s32 @p0 $0x1  }
0x13: {  	[smem:$0x3FB8] =	sst s0;
	s0 =	simm.s32 @!p1 $0x0  }
0x14: {  	s2 =	sld [smem:$0x3F9C];
	s0 =	simm.s32 @p1 $0x1  }
0x15: {  	[smem:$0x3FB9] =	sst s0;
	s0 =	simm.s32 @!p2 $0x0  }
0x16: {  	s3 =	sld [smem:$0x3FDB];
	s0 =	simm.s32 @p2 $0x1  }
0x17: {  	s4 =	simm.s32 $0x1BF5;
	[smem:$0x3FBB] =	sst s0  }
0x18: {  	s0 =	sld [smem:$0x3F9E];
	_ =	swait.ge [sflag:s4], $0x0  }
0x19: {  	s7 =	sld [smem:$0x3F9F]  }
0x1a: {  	s8 =	sadd.s32 $0xFFFFE003, lr  }
0x1b: {  	s9 =	sadd.s32 $0xFFFFFEF7, lr;
	s5 =	simm.s32 $0xFFFFFFFF;
	p2 =	slt.u32 s8, $0xFFFFF086  }
0x1c: {  	p1 =	slt.u32 s9, $0xF7A;
	s5 =	simm.s32 @!p2 $0x0  }
0x1d: {  	s5 =	simm.s32 @p1 $0x1;
	p0 =	seq.s32 s7, s2  }
0x1e: {  	s7 =	smul.u32 @!p0 $0xF7A, s2;
	p2 =	seq.s32 @!p0 s5, $0x0  }
0x1f: {  	s9 =	smul.u32 $0xF7A, s1;
	s8 =	simm.s32 @!p0 $0x1BF5;
	p2 =	por !p2, p0  }
0x20: {  	[sflag:s8] =	ssyncset.s32 @!p0 $0xFFFFF086;
	s6 =	sadd.s32 @!p0 s3, s7;
	s7 =	simm.s32 @!p0 $0x108  }
0x21: {  	s3 =	sadd.s32 s3, s9;
	s6 =	sadd.s32 @!p0 $0x88, s6;
	s7 =	simm.s32 @p2 $0x1082  }
0x22: {  	[simem:s7], [sflag:s8] =	dma.local @!p0 [hbm:s6], $0xF7A  }
0x23: {  	s9 =	sor.u32 $0xD0000000, s2;
	s6 =	simm.s32 $0x108;
	_ =	swait.ge @!p0 [sflag:s8], $0x0  }
0x24: {  	s3 =	sadd.s32 $0x88, s3;
	s6 =	simm.s32 @!p1 $0x1082;
	[sflag:s4] =	ssyncset.s32 $0xFFFFF086  }
0x25: {  	[simem:s6], [sflag:s4] =	dma.local [hbm:s3], $0xF7A  }
0x26: {  	[smem:$0x3F9F] =	sst s1;
	(tag) =	ssettag s2;
	_ =	strace s9  }
0x27: {  	s1 =	sld [smem:$0x3FAF]  }
0x28: {  	s2 =	sld [smem:$0x3FB0]  }
0x29: {  	s4 =	sld [smem:$0x3FB2]  }
0x2a: {  	p0 =	seq.s32 s5, $0x0;
	s5 =	sld [smem:$0x3FB3]  }
0x2b: {  	s6 =	sld [smem:$0x3FB4]  }
0x2c: {  	s7 =	sld [smem:$0x3FB5]  }
0x2d: {  	s3 =	simm.s32 $0x108;
	s8 =	sld [smem:$0x3FB6]  }
0x2e: {  	s3 =	simm.s32 @!p0 $0x1082;
	s9 =	sld [smem:$0x3FB7]  }
0x2f: {  	lr =	sadd.s32 s0, s3;
	s0 =	sld [smem:$0x3FAE]  }
0x30: {  	s3 =	sld [smem:$0x3FB1]  }
0x31: {  	[smem:$0x3FBA] =	sst s10  }
0x32: {  	s10 =	sld [smem:$0x3FB8];
	_ =	sdelay $0x3  }
0x33: {  	p0 =	seq.s32 s10, $0x1;
	s10 =	sld [smem:$0x3FBA];
	_ =	sdelay $0x3  }
0x34: {  	[smem:$0x3FBA] =	sst s10  }
0x35: {  	s10 =	sld [smem:$0x3FB9];
	_ =	sdelay $0x3  }
0x36: {  	p1 =	seq.s32 s10, $0x1;
	s10 =	sld [smem:$0x3FBA];
	_ =	sdelay $0x3  }
0x37: {  	[smem:$0x3FBA] =	sst s10  }
0x38: {  	s10 =	sld [smem:$0x3FBB]  }
0x39: {  	_ = 	snop;
	(pc) =	sbr.ind lr, $3  }
0x3a: {  	_ = 	snop  }
0x3b: {  	_ = 	snop  }
0x3c: {  	p2 =	seq.s32 s10, $0x1;
	s10 =	sld [smem:$0x3FBA]  }
0x3d: {  	_ =	shalt  }
0x3e: {  	_ =	shalt  }
0x3f: {  	_ =	shalt  }
0x40: {  	_ =	shalt  }
0x41: {  	_ =	shalt  }
0x42: {  	_ =	shalt  }
0x43: {  	_ =	shalt  }
0x44: {  	_ =	shalt  }
0x45: {  	_ =	shalt  }
0x46: {  	_ =	shalt  }
0x47: {  	_ =	shalt  }
0x48: {  	_ =	shalt  }
0x49: {  	_ =	shalt  }
0x4a: {  	_ =	shalt  }
0x4b: {  	_ =	shalt  }
0x4c: {  	_ =	shalt  }
0x4d: {  	_ =	shalt  }
0x4e: {  	_ =	shalt  }
0x4f: {  	_ =	shalt  }
0x50: {  	_ =	shalt  }
0x51: {  	_ =	shalt  }
0x52: {  	_ =	shalt  }
0x53: {  	_ =	shalt  }
0x54: {  	_ =	shalt  }
0x55: {  	_ =	shalt  }
0x56: {  	_ =	shalt  }
0x57: {  	_ =	shalt  }
0x58: {  	_ =	shalt  }
0x59: {  	_ =	shalt  }
0x5a: {  	_ =	shalt  }
0x5b: {  	_ =	shalt  }
0x5c: {  	_ =	shalt  }
0x5d: {  	_ =	shalt  }
0x5e: {  	_ =	shalt  }
0x5f: {  	_ =	shalt  }
0x60: {  	_ =	shalt  }
0x61: {  	_ =	shalt  }
0x62: {  	_ =	shalt  }
0x63: {  	_ =	shalt  }
0x64: {  	_ =	shalt  }
0x65: {  	_ =	shalt  }
0x66: {  	_ =	shalt  }
0x67: {  	_ =	shalt  }
0x68: {  	_ =	shalt  }
0x69: {  	_ =	shalt  }
0x6a: {  	_ =	shalt  }
0x6b: {  	_ =	shalt  }
0x6c: {  	_ =	shalt  }
0x6d: {  	_ =	shalt  }
0x6e: {  	_ =	shalt  }
0x6f: {  	_ =	shalt  }
0x70: {  	_ =	shalt  }
0x71: {  	_ =	shalt  }
0x72: {  	_ =	shalt  }
0x73: {  	_ =	shalt  }
0x74: {  	_ =	shalt  }
0x75: {  	_ =	shalt  }
0x76: {  	_ =	shalt  }
0x77: {  	_ =	shalt  }
0x78: {  	_ =	shalt  }
0x79: {  	_ =	shalt  }
0x7a: {  	_ =	shalt  }
0x7b: {  	_ =	shalt  }
0x7c: {  	_ =	shalt  }
0x7d: {  	_ =	shalt  }
0x7e: {  	_ =	shalt  }
0x7f: {  	_ =	shalt  }
0x80: {  	_ =	shalt  }
0x81: {  	_ =	shalt  }
0x82: {  	_ =	shalt  }
0x83: {  	_ =	shalt  }
0x84: {  	_ =	shalt  }
0x85: {  	_ =	shalt  }
0x86: {  	_ =	shalt  }
0x87: {  	_ =	shalt  }
.Lfunc_end0:
.L_simem_size_0:
called_computation_lowered:
.L_overlay_start_0:
0x88: {  	s2 =	sld [smem:$0x3FD9]  }
0x89: {  	s3 =	sld [smem:$0x3FFE];
	_ =	sdelay $0x1  }
0x8a: {  	s1 =	srdreg.scid  }
0x8b: {  	s0 =	sand.u32 $0x1, s1  }
0x8c: {  	s18 =	sshll.u32 s0, $0xA;
	s2 =	sadd.s32 s3, s2  }
0x8d: {  	s2 =	sadd.s32 s2, s18  }
0x8e: {  	[smem:$0x3FC6] =	sst s2  }
0x8f: {  	_ = 	snop  }
0x90: {  	s2 =	sld [smem:$0x3FC9]  }
0x91: {  	s19 =	sld [smem:$0x3FC8]  }
0x92: {  	s4 =	sld [smem:$0x3FD0];
	(tm) =	ssettm $0x1  }
0x93: {  	s5 =	sld [smem:$0x3FFB];
	_ =	sdelay $0x3  }
0x94: {  	_ =	strace s5  }
0x95: {  	s5 =	sld [smem:$0x3FFC];
	_ =	sdelay $0x3  }
0x96: {  	_ =	strace s5  }
0x97: {  	s5 =	sld [smem:$0x3FFD];
	_ =	sdelay $0x3  }
0x98: {  	_ =	strace s5  }
0x99: {  	_ =	strace $0x8FFFFFFF  }
0x9a: {  	s20 =	sld [smem:$0x3FDB];
	_ =	sdelay $0x1  }
0x9b: {  	s6 =	simm.s32 $_scs_section_size  }
0x9c: {  	s7 =	simm.s32 $_size__tile_overlayer_lowered;
	s8 =	simm.s32 $_tile_overlayer_lowered  }
0x9d: {  	s23 =	simm.s32 $0x1BFF;
	s22 =	sshll.u32 s8, $0x1;
	s5 =	sadd.s32 s6, s20  }
0x9e: {  	s9 =	simm.s32 $0x0;
	s21 =	sshll.u32 s7, $0x1;
	s7 =	sadd.s32 s22, s5  }
0x9f: {  	[timem:s9], [sflag:s23] =	dma.local [hbm:s7], s21  }
0xa0: {  	_ =	swait.ge [sflag:s23], s21  }
0xa1: {  	s6 =	ssub.s32 $0x0, s21;
	[sflag:s23] =	ssyncset.done $0x0  }
0xa2: {  	[sflag:s23] =	ssyncadd.s32 s6;
	_ =	sdelay $0x1  }
0xa3: {  	s24 =	simm.s32 $0x1B8B  }
0xa4: {  	_ =	swait.ge [sflag:s24], $0x1  }
0xa5: {  	[sflag:s24] =	ssyncset.done $0x0  }
0xa6: {  	s25 =	simm.s32 $0x1B8E;
	[sflag:s24] =	ssyncadd.s32 $0xFFFFFFFF  }
0xa7: {  	s26 =	simm.s32 $execute0_lowered;
	[smem:$0x3FD2] =	sst s25  }
0xa8: {  	s6 =	sshll.u32 s26, $0x1;
	_ =	strace $0x80000046;
	[dreg:$0x1] =	wrdreg $0xFFFFFFFF  }
0xa9: {  	s28 =	simm.s32 $_size_execute0_lowered;
	s5 =	sadd.s32 s5, s6;
	[dreg:$0x0] =	wrdreg $0x0  }
0xaa: {  	s6 =	sshll.u32 s28, $0x1;
	[dreg:$0x2] =	wrdreg s5  }
0xab: {  	[dreg:$0x3] =	wrdreg s6  }
0xac: {  	[dreg:$0x4] =	wrdreg $0xC0  }
0xad: {  	_ =	task [dreg:s9], $0x5FFFF  }
0xae: {  	[dreg:$0x1] =	wrdreg $0xFFFFFFFF  }
0xaf: {  	[dreg:$0x0] =	wrdreg $0x60  }
0xb0: {  	[dreg:$0x2] =	wrdreg s2  }
0xb1: {  	[dreg:$0x3] =	wrdreg s19  }
0xb2: {  	[dreg:$0x4] =	wrdreg s4  }
0xb3: {  	[dreg:$0x5] =	wrdreg $0x9  }
0xb4: {  	_ =	task.clear_ibuf [dreg:s9], $0x6FFFF;
	_ =	strace $0x90000046  }
0xb5: {  	s29 =	simm.s32 $0x9;
	_ =	strace $0x80000048  }
0xb6: {  	_ =	swait.ge [sflag:s29], $0x1  }
0xb7: {  	[sflag:s29] =	ssyncadd.s32 $0xFFFFFFFF  }
0xb8: {  	_ =	strace $0x90000048  }
0xb9: {  	_ =	sfence  }
0xba: {  	s30 =	sld [smem:$0x0];
	_ =	sdelay $0x2  }
0xbb: {  	s31 =	sshll.u32 s1, $0xD;
	s1 =	sshrl.u32 s1, $0x2  }
0xbc: {  	s3 =	sand.u32 $0x4000, s31;
	s1 =	sadd.s32 s1, s30  }
0xbd: {  	s0 =	sor.u32 s3, s0;
	s1 =	sshll.u32 s1, $0x11  }
0xbe: {  	s0 =	sor.u32 s1, s0  }
0xbf: {  	s0 =	sadd.s32 $0x8F2B, s0  }
0xc0: {  	[sflag:s0] =	ssyncadd.remote.s32 $0x1  }
0xc1: {  	_ =	sfence.sel $0xFFFF  }
0xc2: {  	[dreg:$0x0] =	wrdreg $0xFFFFFFFF;
	(pc) =	sbr.abs _section_cstart, $3  }
0xc3: {  	[dreg:$0x1] =	wrdreg $0xFFFFFFFF  }
0xc4: {  	_ =	task.clear_ibuf [dreg:s9], $0x2FFFF;
	_ =	strace $0x9FFFFFFF  }
0xc5: {  	(tm) =	ssettm $0x7FFFFFFF  }
tec
execute0_lowered:
.L_overlay_start_1:
0x0: {  	(tag) =	ssettag $0x1  }
0x1: {  	s0 =	rddreg [dreg:$0x0]  }
0x2: {  	s1 =	srdreg.scid;
	s2 =	rddreg [dreg:$0x1]  }
0x3: {  	s10 =	stileid.u32;
	s4 =	rddreg [dreg:$0x2]  }
0x4: {  	s15 =	simm.s32 $0x8200;
	s11 =	simm.s32 $0x9A00;
	s12 =	simm.s32 $0xBA00  }
0x5: {  	s13 =	simm.s32 $0xCA00;
	s14 =	simm.s32 $0xEA00;
	s29 =	simm.s32 $0xFA00  }
0x6: {  	s30 =	simm.s32 $0x1;
	s16 =	simm.s32 $0x4;
	s31 =	simm.s32 $0x2  }
0x7: {  	s17 =	simm.s32 $0x5;
	s18 =	simm.s32 $0x3;
	s1 =	sand.u32 $0x1, s1  }
0x8: {  	s3 =	sshll.u32 s10, $0x1;
	s6 =	sshll.u32 s10, $0x2;
	s21 =	sshll.u32 s10, $0x11  }
0x9: {  	s10 =	simm.s32 $0x8A00;
	s8 =	sor.u32 s1, s3;
	s3 =	simm.s32 $0x0  }
0xa: {  	s7 =	ssub.s32 $0x2, s1;
	s23 =	sadd.s32 s21, s4;
	s1 =	sshll.u32 s1, $0x10  }
0xb: {  	s21 =	simm.s32 $0x10200;
	s5 =	sshll.u32 s8, $0x8;
	[smem:$0x7FF] =	sst s3  }
0xc: {  	s19 =	sshrl.u32 s7, $0x1;
	s20 =	sshll.u32 s8, $0x10;
	s8 =	simm.s32 $0x0  }
0xd: {  	s5 =	sor.u32 s6, s5;
	_ =	strace $0x80000047;
	s9 =	ssub.s32 s7, s19  }
0xe: {  	s6 =	sadd.s32 $0x200, s2;
	s7 =	sadd.s32 $0x300, s2;
	s22 =	sadd.s32 s4, s20  }
0xf: {  	s20 =	simm.s32 $0x9200;
	s4 =	simm.s32 $0xAA00;
	s19 =	simm.s32 $0x6  }
0x10: {  	s5 =	sand.u32 $0x730, s5;
	s24 =	sadd.s32 $0xD000, s22;
	[dreg:$0x7] =	wrdreg s22  }
0x11: {  	s25 =	sadd.s32 $0xE000, s22;
	s26 =	sadd.s32 $0xF000, s22;
	[dreg:$0x8] =	wrdreg s24  }
0x12: {  	s28 =	smax.u32 s9, $0x1;
	s22 =	simm.s32 $0xA200;
	[dreg:$0x9] =	wrdreg s25  }
0x13: {  	s9 =	simm.s32 $0xDA00;
	s0 =	sadd.s32 s0, s5;
	[dreg:$0xa] =	wrdreg s26  }
0x14: {  	s5 =	sadd.s32 $0x100, s2;
	[dreg:$0xb] =	wrdreg s28;
	s24 =	simm.s32 $0xC200  }
0x15: {  	v2 =	vlaneseq.u32;
	s25 =	simm.s32 $0xD200;
	[dreg:$0x5] =	wrdreg s0;
	s0 =	sadd.s32 $0x40, s0  }
0x16: {  	vm0 =	vmmov $0xffff;
	v1 =	vshrl.u32 v2, $0x3;
	s26 =	simm.s32 $0xE200;
	[dreg:$0x6] =	wrdreg s0;
	s0 =	sadd.s32 s1, s23  }
0x17: {  	v0 =	vand.u32 $0x7, v2;
	v2 =	vor.u32 $0x8, v2;
	v1 =	vmul.u32 $0x8, v1;
	s23 =	simm.s32 $0xB200;
	s1 =	simm.s32 $0xF200;
	[dreg:$0x4] =	wrdreg s0  }
.LBB2_1:
0x18: {  	[dreg:$0xc] =	wrdreg s8  }
0x19: {  	s0 =	rddreg [dreg:$0x5];
	s8 =	simm.s32 $0x7  }
0x1a: {  	[tilespmem:s3], [sflag:$0x7] =	stream.linear.gather [hbm4b:s0+s3], $0x80, $0x38;
	[tilespmem:$0x18200] =	vst v63  }
0x1b: {  	_ =	swait.ge [sflag:s8], $0x80  }
0x1c: {  	[sflag:s8] =	ssyncset.done $0x0  }
0x1d: {  	[sflag:s8] =	ssyncadd.s32 $0xFFFFFF80  }
0x1e: {  	v3 =	vld [tilespmem:$0x0];
	_ =	sdelay $0x4  }
0x1f: {  	v4 =	vshll.u32 v3, $0x3  }
0x20: {  	v3 =	vand.u32 $0x7, v3;
	v4 =	vand.u32 $0xFFFFFFC0, v4  }
0x21: {  	v3 =	vor.u32 v3, v4  }
0x22: {  	v4 =	vperm.xlane v3, v0;
	_ =	sdelay $0x1  }
0x23: {  	v4 =	vadd.s32 v1, v4;
	_ =	sdelay $0x3  }
0x24: {  	s28 =	simm.s32 $0x200  }
0x25: {  	[tilespmem:s28], [sflag:$0x1] =	stream.indirect_vreg.gather [hbm4b:s2+s3], $0x80, v4, vm0, $0xb8;
	[tilespmem:$0x18200] =	vst v63  }
0x26: {  	s0 =	simm.s32 $0xA00;
	v3 =	vperm.xlane v3, v2  }
0x27: {  	[tilespmem:s0], [sflag:$0x1] =	stream.indirect_vreg.gather [hbm4b:s5+s3], $0x80, v4, vm0, $0xb8;
	[tilespmem:$0x18200] =	vst v63  }
0x28: {  	v3 =	vadd.s32 v1, v3;
	s0 =	simm.s32 $0x1200  }
0x29: {  	[tilespmem:s0], [sflag:$0x1] =	stream.indirect_vreg.gather [hbm4b:s6+s3], $0x80, v4, vm0, $0xb8;
	[tilespmem:$0x18200] =	vst v63  }
0x2a: {  	s0 =	simm.s32 $0x1A00  }
0x2b: {  	[tilespmem:s0], [sflag:$0x1] =	stream.indirect_vreg.gather [hbm4b:s7+s3], $0x80, v4, vm0, $0xb8;
	[tilespmem:$0x18200] =	vst v63  }
0x2c: {  	s0 =	simm.s32 $0x2200  }
0x2d: {  	[tilespmem:s0], [sflag:$0x1] =	stream.indirect_vreg.gather [hbm4b:s2+s3], $0x80, v3, vm0, $0xb8;
	[tilespmem:$0x18200] =	vst v63  }
0x2e: {  	s0 =	simm.s32 $0x2A00  }
0x2f: {  	[tilespmem:s0], [sflag:$0x1] =	stream.indirect_vreg.gather [hbm4b:s5+s3], $0x80, v3, vm0, $0xb8;
	[tilespmem:$0x18200] =	vst v63  }
0x30: {  	s0 =	simm.s32 $0x3200  }
0x31: {  	[tilespmem:s0], [sflag:$0x1] =	stream.indirect_vreg.gather [hbm4b:s6+s3], $0x80, v3, vm0, $0xb8;
	[tilespmem:$0x18200] =	vst v63  }
0x32: {  	s0 =	simm.s32 $0x3A00  }
0x33: {  	[tilespmem:s0], [sflag:$0x1] =	stream.indirect_vreg.gather [hbm4b:s7+s3], $0x80, v3, vm0, $0xb8;
	[tilespmem:$0x18200] =	vst v63  }
0x34: {  	v3 =	vld [tilespmem:$0x10];
	_ =	sdelay $0x4  }
0x35: {  	v59 =	vshll.u32 v3, $0x3  }
0x36: {  	v3 =	vand.u32 $0x7, v3;
	v4 =	vand.u32 $0xFFFFFFC0, v59  }
0x37: {  	v3 =	vor.u32 v3, v4  }
0x38: {  	v4 =	vperm.xlane v3, v0;
	_ =	sdelay $0x1  }
0x39: {  	v4 =	vadd.s32 v1, v4;
	_ =	sdelay $0x3  }
0x3a: {  	s0 =	simm.s32 $0x4200  }
0x3b: {  	[tilespmem:s0], [sflag:$0x1] =	stream.indirect_vreg.gather [hbm4b:s2+s3], $0x80, v4, vm0, $0xb8;
	[tilespmem:$0x18200] =	vst v63  }
0x3c: {  	v3 =	vperm.xlane v3, v2;
	s0 =	simm.s32 $0x4A00  }
0x3d: {  	[tilespmem:s0], [sflag:$0x1] =	stream.indirect_vreg.gather [hbm4b:s5+s3], $0x80, v4, vm0, $0xb8;
	[tilespmem:$0x18200] =	vst v63  }
0x3e: {  	v3 =	vadd.s32 v1, v3;
	s0 =	simm.s32 $0x5200  }
0x3f: {  	[tilespmem:s0], [sflag:$0x1] =	stream.indirect_vreg.gather [hbm4b:s6+s3], $0x80, v4, vm0, $0xb8;
	[tilespmem:$0x18200] =	vst v63  }
0x40: {  	s0 =	simm.s32 $0x5A00  }
0x41: {  	[tilespmem:s0], [sflag:$0x1] =	stream.indirect_vreg.gather [hbm4b:s7+s3], $0x80, v4, vm0, $0xb8;
	[tilespmem:$0x18200] =	vst v63  }
0x42: {  	s0 =	simm.s32 $0x6200  }
0x43: {  	[tilespmem:s0], [sflag:$0x1] =	stream.indirect_vreg.gather [hbm4b:s2+s3], $0x80, v3, vm0, $0xb8;
	[tilespmem:$0x18200] =	vst v63  }
0x44: {  	s0 =	simm.s32 $0x6A00  }
0x45: {  	[tilespmem:s0], [sflag:$0x1] =	stream.indirect_vreg.gather [hbm4b:s5+s3], $0x80, v3, vm0, $0xb8;
	[tilespmem:$0x18200] =	vst v63  }
0x46: {  	s0 =	simm.s32 $0x7200  }
0x47: {  	[tilespmem:s0], [sflag:$0x1] =	stream.indirect_vreg.gather [hbm4b:s6+s3], $0x80, v3, vm0, $0xb8;
	[tilespmem:$0x18200] =	vst v63  }
0x48: {  	s0 =	simm.s32 $0x7A00  }
0x49: {  	[tilespmem:s0], [sflag:$0x1] =	stream.indirect_vreg.gather [hbm4b:s7+s3], $0x80, v3, vm0, $0xb8;
	[tilespmem:$0x18200] =	vst v63  }
0x4a: {  	v3 =	vld [tilespmem:$0x20];
	_ =	sdelay $0x4  }
0x4b: {  	v60 =	vshll.u32 v3, $0x3  }
0x4c: {  	v3 =	vand.u32 $0x7, v3;
	v4 =	vand.u32 $0xFFFFFFC0, v60  }
0x4d: {  	v3 =	vor.u32 v3, v4  }
0x4e: {  	v4 =	vperm.xlane v3, v0;
	_ =	sdelay $0x1  }
0x4f: {  	v4 =	vadd.s32 v1, v4;
	_ =	sdelay $0x4  }
0x50: {  	[tilespmem:s15], [sflag:$0x2] =	stream.indirect_vreg.gather [hbm4b:s2+s3], $0x80, v4, vm0, $0xb8;
	[tilespmem:$0x18200] =	vst v63  }
0x51: {  	v3 =	vperm.xlane v3, v2  }
0x52: {  	[tilespmem:s10], [sflag:$0x2] =	stream.indirect_vreg.gather [hbm4b:s5+s3], $0x80, v4, vm0, $0xb8;
	[tilespmem:$0x18200] =	vst v63  }
0x53: {  	v3 =	vadd.s32 v1, v3  }
0x54: {  	[tilespmem:s20], [sflag:$0x2] =	stream.indirect_vreg.gather [hbm4b:s6+s3], $0x80, v4, vm0, $0xb8;
	[tilespmem:$0x18200] =	vst v63  }
0x55: {  	_ = 	snop  }
0x56: {  	[tilespmem:s11], [sflag:$0x2] =	stream.indirect_vreg.gather [hbm4b:s7+s3], $0x80, v4, vm0, $0xb8;
	[tilespmem:$0x18200] =	vst v63  }
0x57: {  	_ = 	snop  }
0x58: {  	[tilespmem:s22], [sflag:$0x2] =	stream.indirect_vreg.gather [hbm4b:s2+s3], $0x80, v3, vm0, $0xb8;
	[tilespmem:$0x18200] =	vst v63  }
0x59: {  	_ = 	snop  }
0x5a: {  	[tilespmem:s4], [sflag:$0x2] =	stream.indirect_vreg.gather [hbm4b:s5+s3], $0x80, v3, vm0, $0xb8;
	[tilespmem:$0x18200] =	vst v63  }
0x5b: {  	_ = 	snop  }
0x5c: {  	[tilespmem:s23], [sflag:$0x2] =	stream.indirect_vreg.gather [hbm4b:s6+s3], $0x80, v3, vm0, $0xb8;
	[tilespmem:$0x18200] =	vst v63  }
0x5d: {  	_ = 	snop  }
0x5e: {  	[tilespmem:s12], [sflag:$0x2] =	stream.indirect_vreg.gather [hbm4b:s7+s3], $0x80, v3, vm0, $0xb8;
	[tilespmem:$0x18200] =	vst v63  }
0x5f: {  	v3 =	vld [tilespmem:$0x30];
	_ =	sdelay $0x4  }
0x60: {  	v61 =	vshll.u32 v3, $0x3  }
0x61: {  	v3 =	vand.u32 $0x7, v3;
	v4 =	vand.u32 $0xFFFFFFC0, v61  }
0x62: {  	v3 =	vor.u32 v3, v4  }
0x63: {  	v4 =	vperm.xlane v3, v0;
	_ =	sdelay $0x1  }
0x64: {  	v4 =	vadd.s32 v1, v4;
	_ =	sdelay $0x4  }
0x65: {  	[tilespmem:s24], [sflag:$0x2] =	stream.indirect_vreg.gather [hbm4b:s2+s3], $0x80, v4, vm0, $0xb8;
	[tilespmem:$0x18200] =	vst v63  }
0x66: {  	v3 =	vperm.xlane v3, v2  }
0x67: {  	[tilespmem:s13], [sflag:$0x2] =	stream.indirect_vreg.gather [hbm4b:s5+s3], $0x80, v4, vm0, $0xb8;
	[tilespmem:$0x18200] =	vst v63  }
0x68: {  	v3 =	vadd.s32 v1, v3  }
0x69: {  	[tilespmem:s25], [sflag:$0x2] =	stream.indirect_vreg.gather [hbm4b:s6+s3], $0x80, v4, vm0, $0xb8;
	[tilespmem:$0x18200] =	vst v63  }
0x6a: {  	_ = 	snop  }
0x6b: {  	[tilespmem:s9], [sflag:$0x2] =	stream.indirect_vreg.gather [hbm4b:s7+s3], $0x80, v4, vm0, $0xb8;
	[tilespmem:$0x18200] =	vst v63  }
0x6c: {  	_ = 	snop  }
0x6d: {  	[tilespmem:s26], [sflag:$0x2] =	stream.indirect_vreg.gather [hbm4b:s2+s3], $0x80, v3, vm0, $0xb8;
	[tilespmem:$0x18200] =	vst v63  }
0x6e: {  	_ = 	snop  }
0x6f: {  	[tilespmem:s14], [sflag:$0x2] =	stream.indirect_vreg.gather [hbm4b:s5+s3], $0x80, v3, vm0, $0xb8;
	[tilespmem:$0x18200] =	vst v63  }
0x70: {  	_ = 	snop  }
0x71: {  	[tilespmem:s1], [sflag:$0x2] =	stream.indirect_vreg.gather [hbm4b:s6+s3], $0x80, v3, vm0, $0xb8;
	[tilespmem:$0x18200] =	vst v63  }
0x72: {  	_ = 	snop  }
0x73: {  	[tilespmem:s29], [sflag:$0x2] =	stream.indirect_vreg.gather [hbm4b:s7+s3], $0x80, v3, vm0, $0xb8;
	[tilespmem:$0x18200] =	vst v63  }
0x74: {  	v3 =	vld [tilespmem:$0x40];
	_ =	sdelay $0x4  }
0x75: {  	v62 =	vshll.u32 v3, $0x3  }
0x76: {  	v3 =	vand.u32 $0x7, v3;
	v4 =	vand.u32 $0xFFFFFFC0, v62  }
0x77: {  	v3 =	vor.u32 v3, v4  }
0x78: {  	v4 =	vperm.xlane v3, v0;
	_ =	sdelay $0x1  }
0x79: {  	v4 =	vadd.s32 v1, v4;
	_ =	sdelay $0x4  }
0x7a: {  	[tilespmem:s21], [sflag:$0x3] =	stream.indirect_vreg.gather [hbm4b:s2+s3], $0x80, v4, vm0, $0xb8;
	[tilespmem:$0x18200] =	vst v63  }
0x7b: {  	s25 =	simm.s32 $0x10A00;
	v3 =	vperm.xlane v3, v2  }
0x7c: {  	[tilespmem:s25], [sflag:$0x3] =	stream.indirect_vreg.gather [hbm4b:s5+s3], $0x80, v4, vm0, $0xb8;
	[tilespmem:$0x18200] =	vst v63  }
0x7d: {  	s26 =	simm.s32 $0x11200;
	v3 =	vadd.s32 v1, v3  }
0x7e: {  	[tilespmem:s26], [sflag:$0x3] =	stream.indirect_vreg.gather [hbm4b:s6+s3], $0x80, v4, vm0, $0xb8;
	[tilespmem:$0x18200] =	vst v63  }
0x7f: {  	s1 =	simm.s32 $0x11A00  }
0x80: {  	[tilespmem:s1], [sflag:$0x3] =	stream.indirect_vreg.gather [hbm4b:s7+s3], $0x80, v4, vm0, $0xb8;
	[tilespmem:$0x18200] =	vst v63  }
0x81: {  	s4 =	simm.s32 $0x12200  }
0x82: {  	[tilespmem:s4], [sflag:$0x3] =	stream.indirect_vreg.gather [hbm4b:s2+s3], $0x80, v3, vm0, $0xb8;
	[tilespmem:$0x18200] =	vst v63  }
0x83: {  	s9 =	simm.s32 $0x12A00  }
0x84: {  	[tilespmem:s9], [sflag:$0x3] =	stream.indirect_vreg.gather [hbm4b:s5+s3], $0x80, v3, vm0, $0xb8;
	[tilespmem:$0x18200] =	vst v63  }
0x85: {  	s10 =	simm.s32 $0x13200  }
0x86: {  	[tilespmem:s10], [sflag:$0x3] =	stream.indirect_vreg.gather [hbm4b:s6+s3], $0x80, v3, vm0, $0xb8;
	[tilespmem:$0x18200] =	vst v63  }
0x87: {  	s11 =	simm.s32 $0x13A00  }
0x88: {  	[tilespmem:s11], [sflag:$0x3] =	stream.indirect_vreg.gather [hbm4b:s7+s3], $0x80, v3, vm0, $0xb8;
	[tilespmem:$0x18200] =	vst v63  }
0x89: {  	v3 =	vld [tilespmem:$0x50];
	_ =	sdelay $0x4  }
0x8a: {  	v63 =	vshll.u32 v3, $0x3  }
0x8b: {  	v3 =	vand.u32 $0x7, v3;
	v4 =	vand.u32 $0xFFFFFFC0, v63  }
0x8c: {  	v3 =	vor.u32 v3, v4  }
0x8d: {  	v4 =	vperm.xlane v3, v0;
	_ =	sdelay $0x1  }
0x8e: {  	v4 =	vadd.s32 v1, v4;
	_ =	sdelay $0x3  }
0x8f: {  	s12 =	simm.s32 $0x14200  }
0x90: {  	[tilespmem:s12], [sflag:$0x3] =	stream.indirect_vreg.gather [hbm4b:s2+s3], $0x80, v4, vm0, $0xb8;
	[tilespmem:$0x18200] =	vst v63  }
0x91: {  	s13 =	simm.s32 $0x14A00;
	v3 =	vperm.xlane v3, v2  }
0x92: {  	[tilespmem:s13], [sflag:$0x3] =	stream.indirect_vreg.gather [hbm4b:s5+s3], $0x80, v4, vm0, $0xb8;
	[tilespmem:$0x18200] =	vst v63  }
0x93: {  	s14 =	simm.s32 $0x15200;
	v3 =	vadd.s32 v1, v3  }
0x94: {  	[tilespmem:s14], [sflag:$0x3] =	stream.indirect_vreg.gather [hbm4b:s6+s3], $0x80, v4, vm0, $0xb8;
	[tilespmem:$0x18200] =	vst v63  }
0x95: {  	s15 =	simm.s32 $0x15A00  }
0x96: {  	[tilespmem:s15], [sflag:$0x3] =	stream.indirect_vreg.gather [hbm4b:s7+s3], $0x80, v4, vm0, $0xb8;
	[tilespmem:$0x18200] =	vst v63  }
0x97: {  	s20 =	simm.s32 $0x16200  }
0x98: {  	[tilespmem:s20], [sflag:$0x3] =	stream.indirect_vreg.gather [hbm4b:s2+s3], $0x80, v3, vm0, $0xb8;
	[tilespmem:$0x18200] =	vst v63  }
0x99: {  	s21 =	simm.s32 $0x16A00  }
0x9a: {  	[tilespmem:s21], [sflag:$0x3] =	stream.indirect_vreg.gather [hbm4b:s5+s3], $0x80, v3, vm0, $0xb8;
	[tilespmem:$0x18200] =	vst v63  }
0x9b: {  	s22 =	simm.s32 $0x17200  }
0x9c: {  	[tilespmem:s22], [sflag:$0x3] =	stream.indirect_vreg.gather [hbm4b:s6+s3], $0x80, v3, vm0, $0xb8;
	[tilespmem:$0x18200] =	vst v63  }
0x9d: {  	s23 =	simm.s32 $0x17A00  }
0x9e: {  	[tilespmem:s23], [sflag:$0x3] =	stream.indirect_vreg.gather [hbm4b:s7+s3], $0x80, v3, vm0, $0xb8;
	[tilespmem:$0x18200] =	vst v63  }
0x9f: {  	s24 =	rddreg [dreg:$0x6];
	s25 =	simm.s32 $0x80  }
0xa0: {  	[tilespmem:s25], [sflag:$0x7] =	stream.strided.gather [hbm4b:s24+s25], $0x180, s28, s25, $0x38;
	[tilespmem:$0x18200] =	vst v63  }
0xa1: {  	s0 =	simm.s32 $0x0;
	s29 =	simm.s32 $0xE200;
	_ =	swait.ge [sflag:s8], $0x180  }
0xa2: {  	s1 =	simm.s32 $0xF200;
	s4 =	simm.s32 $0xFA00;
	[sflag:s8] =	ssyncset.done $0x0  }
0xa3: {  	s9 =	simm.s32 $0xDA00;
	s11 =	simm.s32 $0x9A00;
	[sflag:s8] =	ssyncadd.s32 $0xFFFFFE80  }
0xa4: {  	s12 =	simm.s32 $0xBA00;
	s13 =	simm.s32 $0xCA00;
	_ =	swait.ge [sflag:s30], $0x8000  }
0xa5: {  	s14 =	simm.s32 $0xEA00;
	s20 =	simm.s32 $0xB0;
	[sflag:s30] =	ssyncset.done $0x0  }
0xa6: {  	s25 =	simm.s32 $0xB200;
	s26 =	rddreg [dreg:$0x7];
	[sflag:s30] =	ssyncadd.s32 $0xFFFF8000  }
0xa7: {  	[hbm4b:s26+s3] =	stream.linear.scatter [tilespmem:s28], [sflag:$0x4], $0x8000, $0x38;
	[tilespmem:$0x18200] =	vst v63  }
0xa8: {  	s24 =	simm.s32 $0xA200;
	s28 =	simm.s32 $0xD200;
	s26 =	simm.s32 $0xC200  }
.LBB2_2:
0xa9: {  	_ =	swait.ge [sflag:s16], $0x8000  }
0xaa: {  	[sflag:s16] =	ssyncset.done $0x0  }
0xab: {  	[sflag:s16] =	ssyncadd.s32 $0xFFFF8000  }
0xac: {  	v3 =	vld [tilespmem:s20+$0xFFFFFFB0];
	_ =	sdelay $0x4  }
0xad: {  	v4 =	vshll.u32 v3, $0x3  }
0xae: {  	v3 =	vand.u32 $0x7, v3;
	v4 =	vand.u32 $0xFFFFFFC0, v4  }
0xaf: {  	v3 =	vor.u32 v3, v4  }
0xb0: {  	v4 =	vperm.xlane v3, v0;
	_ =	sdelay $0x1  }
0xb1: {  	v4 =	vadd.s32 v1, v4;
	_ =	sdelay $0x3  }
0xb2: {  	s10 =	simm.s32 $0x200  }
0xb3: {  	[tilespmem:s10], [sflag:$0x1] =	stream.indirect_vreg.gather [hbm4b:s2+s3], $0x80, v4, vm0, $0xb8;
	[tilespmem:$0x18200] =	vst v63  }
0xb4: {  	s8 =	simm.s32 $0xA00;
	v3 =	vperm.xlane v3, v2  }
0xb5: {  	[tilespmem:s8], [sflag:$0x1] =	stream.indirect_vreg.gather [hbm4b:s5+s3], $0x80, v4, vm0, $0xb8;
	[tilespmem:$0x18200] =	vst v63  }
0xb6: {  	s15 =	simm.s32 $0x1200;
	v3 =	vadd.s32 v1, v3  }
0xb7: {  	[tilespmem:s15], [sflag:$0x1] =	stream.indirect_vreg.gather [hbm4b:s6+s3], $0x80, v4, vm0, $0xb8;
	[tilespmem:$0x18200] =	vst v63  }
0xb8: {  	s21 =	simm.s32 $0x1A00  }
0xb9: {  	[tilespmem:s21], [sflag:$0x1] =	stream.indirect_vreg.gather [hbm4b:s7+s3], $0x80, v4, vm0, $0xb8;
	[tilespmem:$0x18200] =	vst v63  }
0xba: {  	s22 =	simm.s32 $0x2200  }
0xbb: {  	[tilespmem:s22], [sflag:$0x1] =	stream.indirect_vreg.gather [hbm4b:s2+s3], $0x80, v3, vm0, $0xb8;
	[tilespmem:$0x18200] =	vst v63  }
0xbc: {  	s23 =	simm.s32 $0x2A00  }
0xbd: {  	[tilespmem:s23], [sflag:$0x1] =	stream.indirect_vreg.gather [hbm4b:s5+s3], $0x80, v3, vm0, $0xb8;
	[tilespmem:$0x18200] =	vst v63  }
0xbe: {  	s15 =	simm.s32 $0x3200  }
0xbf: {  	[tilespmem:s15], [sflag:$0x1] =	stream.indirect_vreg.gather [hbm4b:s6+s3], $0x80, v3, vm0, $0xb8;
	[tilespmem:$0x18200] =	vst v63  }
0xc0: {  	s21 =	simm.s32 $0x3A00  }
0xc1: {  	[tilespmem:s21], [sflag:$0x1] =	stream.indirect_vreg.gather [hbm4b:s7+s3], $0x80, v3, vm0, $0xb8;
	[tilespmem:$0x18200] =	vst v63  }
0xc2: {  	v3 =	vld [tilespmem:s20+$0xFFFFFFC0];
	_ =	sdelay $0x4  }
0xc3: {  	v59 =	vshll.u32 v3, $0x3  }
0xc4: {  	v3 =	vand.u32 $0x7, v3;
	v4 =	vand.u32 $0xFFFFFFC0, v59  }
0xc5: {  	v3 =	vor.u32 v3, v4  }
0xc6: {  	v4 =	vperm.xlane v3, v0;
	_ =	sdelay $0x1  }
0xc7: {  	v4 =	vadd.s32 v1, v4;
	_ =	sdelay $0x3  }
0xc8: {  	s22 =	simm.s32 $0x4200  }
0xc9: {  	[tilespmem:s22], [sflag:$0x1] =	stream.indirect_vreg.gather [hbm4b:s2+s3], $0x80, v4, vm0, $0xb8;
	[tilespmem:$0x18200] =	vst v63  }
0xca: {  	s23 =	simm.s32 $0x4A00;
	v3 =	vperm.xlane v3, v2  }
0xcb: {  	[tilespmem:s23], [sflag:$0x1] =	stream.indirect_vreg.gather [hbm4b:s5+s3], $0x80, v4, vm0, $0xb8;
	[tilespmem:$0x18200] =	vst v63  }
0xcc: {  	s15 =	simm.s32 $0x5200;
	v3 =	vadd.s32 v1, v3  }
0xcd: {  	[tilespmem:s15], [sflag:$0x1] =	stream.indirect_vreg.gather [hbm4b:s6+s3], $0x80, v4, vm0, $0xb8;
	[tilespmem:$0x18200] =	vst v63  }
0xce: {  	s21 =	simm.s32 $0x5A00  }
0xcf: {  	[tilespmem:s21], [sflag:$0x1] =	stream.indirect_vreg.gather [hbm4b:s7+s3], $0x80, v4, vm0, $0xb8;
	[tilespmem:$0x18200] =	vst v63  }
0xd0: {  	s22 =	simm.s32 $0x6200  }
0xd1: {  	[tilespmem:s22], [sflag:$0x1] =	stream.indirect_vreg.gather [hbm4b:s2+s3], $0x80, v3, vm0, $0xb8;
	[tilespmem:$0x18200] =	vst v63  }
0xd2: {  	s23 =	simm.s32 $0x6A00  }
0xd3: {  	[tilespmem:s23], [sflag:$0x1] =	stream.indirect_vreg.gather [hbm4b:s5+s3], $0x80, v3, vm0, $0xb8;
	[tilespmem:$0x18200] =	vst v63  }
0xd4: {  	s15 =	simm.s32 $0x7200  }
0xd5: {  	[tilespmem:s15], [sflag:$0x1] =	stream.indirect_vreg.gather [hbm4b:s6+s3], $0x80, v3, vm0, $0xb8;
	[tilespmem:$0x18200] =	vst v63  }
0xd6: {  	s21 =	simm.s32 $0x7A00  }
0xd7: {  	[tilespmem:s21], [sflag:$0x1] =	stream.indirect_vreg.gather [hbm4b:s7+s3], $0x80, v3, vm0, $0xb8;
	[tilespmem:$0x18200] =	vst v63  }
0xd8: {  	_ =	swait.ge [sflag:s31], $0x8000  }
0xd9: {  	s22 =	rddreg [dreg:$0x4]  }
0xda: {  	[sflag:s31] =	ssyncset.done $0x0;
	s8 =	sadd.s32 s0, s22  }
0xdb: {  	s21 =	simm.s32 $0x8200;
	[sflag:s31] =	ssyncadd.s32 $0xFFFF8000;
	s22 =	sadd.s32 $0x1000, s8  }
0xdc: {  	[hbm4b:s22+s3] =	stream.linear.scatter [tilespmem:s21], [sflag:$0x5], $0x8000, $0x38;
	[tilespmem:$0x18200] =	vst v63  }
0xdd: {  	_ =	swait.ge [sflag:s17], $0x8000  }
0xde: {  	[sflag:s17] =	ssyncset.done $0x0  }
0xdf: {  	[sflag:s17] =	ssyncadd.s32 $0xFFFF8000  }
0xe0: {  	v3 =	vld [tilespmem:s20+$0xFFFFFFD0];
	_ =	sdelay $0x4  }
0xe1: {  	v60 =	vshll.u32 v3, $0x3  }
0xe2: {  	v3 =	vand.u32 $0x7, v3;
	v4 =	vand.u32 $0xFFFFFFC0, v60  }
0xe3: {  	v3 =	vor.u32 v3, v4  }
0xe4: {  	v4 =	vperm.xlane v3, v0;
	_ =	sdelay $0x1  }
0xe5: {  	v4 =	vadd.s32 v1, v4;
	_ =	sdelay $0x4  }
0xe6: {  	[tilespmem:s21], [sflag:$0x2] =	stream.indirect_vreg.gather [hbm4b:s2+s3], $0x80, v4, vm0, $0xb8;
	[tilespmem:$0x18200] =	vst v63  }
0xe7: {  	s23 =	simm.s32 $0x8A00;
	v3 =	vperm.xlane v3, v2  }
0xe8: {  	[tilespmem:s23], [sflag:$0x2] =	stream.indirect_vreg.gather [hbm4b:s5+s3], $0x80, v4, vm0, $0xb8;
	[tilespmem:$0x18200] =	vst v63  }
0xe9: {  	s22 =	simm.s32 $0x9200;
	v3 =	vadd.s32 v1, v3  }
0xea: {  	[tilespmem:s22], [sflag:$0x2] =	stream.indirect_vreg.gather [hbm4b:s6+s3], $0x80, v4, vm0, $0xb8;
	[tilespmem:$0x18200] =	vst v63  }
0xeb: {  	_ = 	snop  }
0xec: {  	[tilespmem:s11], [sflag:$0x2] =	stream.indirect_vreg.gather [hbm4b:s7+s3], $0x80, v4, vm0, $0xb8;
	[tilespmem:$0x18200] =	vst v63  }
0xed: {  	_ = 	snop  }
0xee: {  	[tilespmem:s24], [sflag:$0x2] =	stream.indirect_vreg.gather [hbm4b:s2+s3], $0x80, v3, vm0, $0xb8;
	[tilespmem:$0x18200] =	vst v63  }
0xef: {  	s23 =	simm.s32 $0xAA00  }
0xf0: {  	[tilespmem:s23], [sflag:$0x2] =	stream.indirect_vreg.gather [hbm4b:s5+s3], $0x80, v3, vm0, $0xb8;
	[tilespmem:$0x18200] =	vst v63  }
0xf1: {  	_ = 	snop  }
0xf2: {  	[tilespmem:s25], [sflag:$0x2] =	stream.indirect_vreg.gather [hbm4b:s6+s3], $0x80, v3, vm0, $0xb8;
	[tilespmem:$0x18200] =	vst v63  }
0xf3: {  	_ = 	snop  }
0xf4: {  	[tilespmem:s12], [sflag:$0x2] =	stream.indirect_vreg.gather [hbm4b:s7+s3], $0x80, v3, vm0, $0xb8;
	[tilespmem:$0x18200] =	vst v63  }
0xf5: {  	v3 =	vld [tilespmem:s20+$0xFFFFFFE0];
	_ =	sdelay $0x4  }
0xf6: {  	v61 =	vshll.u32 v3, $0x3  }
0xf7: {  	v3 =	vand.u32 $0x7, v3;
	v4 =	vand.u32 $0xFFFFFFC0, v61  }
0xf8: {  	v3 =	vor.u32 v3, v4  }
0xf9: {  	v4 =	vperm.xlane v3, v0;
	_ =	sdelay $0x1  }
0xfa: {  	v4 =	vadd.s32 v1, v4;
	_ =	sdelay $0x4  }
0xfb: {  	[tilespmem:s26], [sflag:$0x2] =	stream.indirect_vreg.gather [hbm4b:s2+s3], $0x80, v4, vm0, $0xb8;
	[tilespmem:$0x18200] =	vst v63  }
0xfc: {  	v3 =	vperm.xlane v3, v2  }
0xfd: {  	[tilespmem:s13], [sflag:$0x2] =	stream.indirect_vreg.gather [hbm4b:s5+s3], $0x80, v4, vm0, $0xb8;
	[tilespmem:$0x18200] =	vst v63  }
0xfe: {  	v3 =	vadd.s32 v1, v3  }
0xff: {  	[tilespmem:s28], [sflag:$0x2] =	stream.indirect_vreg.gather [hbm4b:s6+s3], $0x80, v4, vm0, $0xb8;
	[tilespmem:$0x18200] =	vst v63  }
0x100: {  	_ = 	snop  }
0x101: {  	[tilespmem:s9], [sflag:$0x2] =	stream.indirect_vreg.gather [hbm4b:s7+s3], $0x80, v4, vm0, $0xb8;
	[tilespmem:$0x18200] =	vst v63  }
0x102: {  	_ = 	snop  }
0x103: {  	[tilespmem:s29], [sflag:$0x2] =	stream.indirect_vreg.gather [hbm4b:s2+s3], $0x80, v3, vm0, $0xb8;
	[tilespmem:$0x18200] =	vst v63  }
0x104: {  	_ = 	snop  }
0x105: {  	[tilespmem:s14], [sflag:$0x2] =	stream.indirect_vreg.gather [hbm4b:s5+s3], $0x80, v3, vm0, $0xb8;
	[tilespmem:$0x18200] =	vst v63  }
0x106: {  	_ = 	snop  }
0x107: {  	[tilespmem:s1], [sflag:$0x2] =	stream.indirect_vreg.gather [hbm4b:s6+s3], $0x80, v3, vm0, $0xb8;
	[tilespmem:$0x18200] =	vst v63  }
0x108: {  	_ = 	snop  }
0x109: {  	[tilespmem:s4], [sflag:$0x2] =	stream.indirect_vreg.gather [hbm4b:s7+s3], $0x80, v3, vm0, $0xb8;
	[tilespmem:$0x18200] =	vst v63  }
0x10a: {  	_ =	swait.ge [sflag:s18], $0x8000  }
0x10b: {  	[sflag:s18] =	ssyncset.done $0x0  }
0x10c: {  	s21 =	sadd.s32 $0x2000, s8;
	s23 =	simm.s32 $0x10200;
	[sflag:s18] =	ssyncadd.s32 $0xFFFF8000  }
0x10d: {  	[hbm4b:s21+s3] =	stream.linear.scatter [tilespmem:s23], [sflag:$0x6], $0x8000, $0x38;
	[tilespmem:$0x18200] =	vst v63  }
0x10e: {  	_ =	swait.ge [sflag:s19], $0x8000  }
0x10f: {  	[sflag:s19] =	ssyncset.done $0x0  }
0x110: {  	[sflag:s19] =	ssyncadd.s32 $0xFFFF8000  }
0x111: {  	v3 =	vld [tilespmem:s20+$0xFFFFFFF0];
	_ =	sdelay $0x4  }
0x112: {  	v62 =	vshll.u32 v3, $0x3  }
0x113: {  	v3 =	vand.u32 $0x7, v3;
	v4 =	vand.u32 $0xFFFFFFC0, v62  }
0x114: {  	v3 =	vor.u32 v3, v4  }
0x115: {  	v4 =	vperm.xlane v3, v0;
	_ =	sdelay $0x1  }
0x116: {  	v4 =	vadd.s32 v1, v4;
	_ =	sdelay $0x4  }
0x117: {  	[tilespmem:s23], [sflag:$0x3] =	stream.indirect_vreg.gather [hbm4b:s2+s3], $0x80, v4, vm0, $0xb8;
	[tilespmem:$0x18200] =	vst v63  }
0x118: {  	v3 =	vperm.xlane v3, v2;
	s23 =	simm.s32 $0x10A00  }
0x119: {  	[tilespmem:s23], [sflag:$0x3] =	stream.indirect_vreg.gather [hbm4b:s5+s3], $0x80, v4, vm0, $0xb8;
	[tilespmem:$0x18200] =	vst v63  }
0x11a: {  	v3 =	vadd.s32 v1, v3;
	s23 =	simm.s32 $0x11200  }
0x11b: {  	[tilespmem:s23], [sflag:$0x3] =	stream.indirect_vreg.gather [hbm4b:s6+s3], $0x80, v4, vm0, $0xb8;
	[tilespmem:$0x18200] =	vst v63  }
0x11c: {  	s23 =	simm.s32 $0x11A00  }
0x11d: {  	[tilespmem:s23], [sflag:$0x3] =	stream.indirect_vreg.gather [hbm4b:s7+s3], $0x80, v4, vm0, $0xb8;
	[tilespmem:$0x18200] =	vst v63  }
0x11e: {  	s23 =	simm.s32 $0x12200  }
0x11f: {  	[tilespmem:s23], [sflag:$0x3] =	stream.indirect_vreg.gather [hbm4b:s2+s3], $0x80, v3, vm0, $0xb8;
	[tilespmem:$0x18200] =	vst v63  }
0x120: {  	s23 =	simm.s32 $0x12A00  }
0x121: {  	[tilespmem:s23], [sflag:$0x3] =	stream.indirect_vreg.gather [hbm4b:s5+s3], $0x80, v3, vm0, $0xb8;
	[tilespmem:$0x18200] =	vst v63  }
0x122: {  	s23 =	simm.s32 $0x13200  }
0x123: {  	[tilespmem:s23], [sflag:$0x3] =	stream.indirect_vreg.gather [hbm4b:s6+s3], $0x80, v3, vm0, $0xb8;
	[tilespmem:$0x18200] =	vst v63  }
0x124: {  	s23 =	simm.s32 $0x13A00  }
0x125: {  	[tilespmem:s23], [sflag:$0x3] =	stream.indirect_vreg.gather [hbm4b:s7+s3], $0x80, v3, vm0, $0xb8;
	[tilespmem:$0x18200] =	vst v63  }
0x126: {  	v3 =	vld [tilespmem:s20+$0x0];
	_ =	sdelay $0x4  }
0x127: {  	v63 =	vshll.u32 v3, $0x3  }
0x128: {  	v3 =	vand.u32 $0x7, v3;
	v4 =	vand.u32 $0xFFFFFFC0, v63  }
0x129: {  	v3 =	vor.u32 v3, v4  }
0x12a: {  	v4 =	vperm.xlane v3, v0;
	_ =	sdelay $0x1  }
0x12b: {  	v4 =	vadd.s32 v1, v4;
	_ =	sdelay $0x3  }
0x12c: {  	s23 =	simm.s32 $0x14200  }
0x12d: {  	[tilespmem:s23], [sflag:$0x3] =	stream.indirect_vreg.gather [hbm4b:s2+s3], $0x80, v4, vm0, $0xb8;
	[tilespmem:$0x18200] =	vst v63  }
0x12e: {  	v3 =	vperm.xlane v3, v2;
	s23 =	simm.s32 $0x14A00  }
0x12f: {  	[tilespmem:s23], [sflag:$0x3] =	stream.indirect_vreg.gather [hbm4b:s5+s3], $0x80, v4, vm0, $0xb8;
	[tilespmem:$0x18200] =	vst v63  }
0x130: {  	v3 =	vadd.s32 v1, v3;
	s23 =	simm.s32 $0x15200  }
0x131: {  	[tilespmem:s23], [sflag:$0x3] =	stream.indirect_vreg.gather [hbm4b:s6+s3], $0x80, v4, vm0, $0xb8;
	[tilespmem:$0x18200] =	vst v63  }
0x132: {  	s23 =	simm.s32 $0x15A00  }
0x133: {  	[tilespmem:s23], [sflag:$0x3] =	stream.indirect_vreg.gather [hbm4b:s7+s3], $0x80, v4, vm0, $0xb8;
	[tilespmem:$0x18200] =	vst v63  }
0x134: {  	s23 =	simm.s32 $0x16200  }
0x135: {  	[tilespmem:s23], [sflag:$0x3] =	stream.indirect_vreg.gather [hbm4b:s2+s3], $0x80, v3, vm0, $0xb8;
	[tilespmem:$0x18200] =	vst v63  }
0x136: {  	s23 =	simm.s32 $0x16A00  }
0x137: {  	[tilespmem:s23], [sflag:$0x3] =	stream.indirect_vreg.gather [hbm4b:s5+s3], $0x80, v3, vm0, $0xb8;
	[tilespmem:$0x18200] =	vst v63  }
0x138: {  	s23 =	simm.s32 $0x17200  }
0x139: {  	[tilespmem:s23], [sflag:$0x3] =	stream.indirect_vreg.gather [hbm4b:s6+s3], $0x80, v3, vm0, $0xb8;
	[tilespmem:$0x18200] =	vst v63  }
0x13a: {  	p0 =	sne.s32 s0, $0x9000;
	s23 =	simm.s32 $0x17A00  }
0x13b: {  	[tilespmem:s23], [sflag:$0x3] =	stream.indirect_vreg.gather [hbm4b:s7+s3], $0x80, v3, vm0, $0xb8;
	[tilespmem:$0x18200] =	vst v63  }
.Ltmp0:
0x13c: {  	_ = 	snop;
	(pc) =	sbr.rel @p0 .LBB2_2-.Ltmp0, $4  }
0x13d: {  	s15 =	simm.s32 $0x8200;
	_ =	swait.ge [sflag:s30], $0x8000  }
0x13e: {  	s0 =	sadd.s32 $0x3000, s0;
	s8 =	sadd.s32 $0x3000, s8;
	[sflag:s30] =	ssyncset.done $0x0  }
0x13f: {  	s21 =	simm.s32 $0x10200;
	s20 =	sadd.s32 $0x60, s20;
	[sflag:s30] =	ssyncadd.s32 $0xFFFF8000  }
0x140: {  	[hbm4b:s8+s3] =	stream.linear.scatter [tilespmem:s10], [sflag:$0x4], $0x8000, $0x38;
	[tilespmem:$0x18200] =	vst v63  }
0x141: {  	_ =	swait.ge [sflag:s16], $0x8000  }
0x142: {  	[sflag:s16] =	ssyncset.done $0x0  }
0x143: {  	[sflag:s16] =	ssyncadd.s32 $0xFFFF8000  }
0x144: {  	v3 =	vld [tilespmem:$0x1E0];
	_ =	sdelay $0x4  }
0x145: {  	v4 =	vshll.u32 v3, $0x3  }
0x146: {  	v3 =	vand.u32 $0x7, v3;
	v4 =	vand.u32 $0xFFFFFFC0, v4  }
0x147: {  	v3 =	vor.u32 v3, v4  }
0x148: {  	v4 =	vperm.xlane v3, v0;
	_ =	sdelay $0x1  }
0x149: {  	v4 =	vadd.s32 v1, v4;
	_ =	sdelay $0x3  }
0x14a: {  	s1 =	simm.s32 $0x200  }
0x14b: {  	[tilespmem:s1], [sflag:$0x1] =	stream.indirect_vreg.gather [hbm4b:s2+s3], $0x80, v4, vm0, $0xb8;
	[tilespmem:$0x18200] =	vst v63  }
0x14c: {  	s0 =	simm.s32 $0xA00;
	v3 =	vperm.xlane v3, v2  }
0x14d: {  	[tilespmem:s0], [sflag:$0x1] =	stream.indirect_vreg.gather [hbm4b:s5+s3], $0x80, v4, vm0, $0xb8;
	[tilespmem:$0x18200] =	vst v63  }
0x14e: {  	s25 =	simm.s32 $0x1200;
	v3 =	vadd.s32 v1, v3  }
0x14f: {  	[tilespmem:s25], [sflag:$0x1] =	stream.indirect_vreg.gather [hbm4b:s6+s3], $0x80, v4, vm0, $0xb8;
	[tilespmem:$0x18200] =	vst v63  }
0x150: {  	s26 =	simm.s32 $0x1A00  }
0x151: {  	[tilespmem:s26], [sflag:$0x1] =	stream.indirect_vreg.gather [hbm4b:s7+s3], $0x80, v4, vm0, $0xb8;
	[tilespmem:$0x18200] =	vst v63  }
0x152: {  	s28 =	simm.s32 $0x2200  }
0x153: {  	[tilespmem:s28], [sflag:$0x1] =	stream.indirect_vreg.gather [hbm4b:s2+s3], $0x80, v3, vm0, $0xb8;
	[tilespmem:$0x18200] =	vst v63  }
0x154: {  	s4 =	simm.s32 $0x2A00  }
0x155: {  	[tilespmem:s4], [sflag:$0x1] =	stream.indirect_vreg.gather [hbm4b:s5+s3], $0x80, v3, vm0, $0xb8;
	[tilespmem:$0x18200] =	vst v63  }
0x156: {  	s8 =	simm.s32 $0x3200  }
0x157: {  	[tilespmem:s8], [sflag:$0x1] =	stream.indirect_vreg.gather [hbm4b:s6+s3], $0x80, v3, vm0, $0xb8;
	[tilespmem:$0x18200] =	vst v63  }
0x158: {  	s9 =	simm.s32 $0x3A00  }
0x159: {  	[tilespmem:s9], [sflag:$0x1] =	stream.indirect_vreg.gather [hbm4b:s7+s3], $0x80, v3, vm0, $0xb8;
	[tilespmem:$0x18200] =	vst v63  }
0x15a: {  	v3 =	vld [tilespmem:$0x1F0];
	_ =	sdelay $0x4  }
0x15b: {  	v63 =	vshll.u32 v3, $0x3  }
0x15c: {  	v3 =	vand.u32 $0x7, v3;
	v4 =	vand.u32 $0xFFFFFFC0, v63  }
0x15d: {  	v3 =	vor.u32 v3, v4  }
0x15e: {  	v4 =	vperm.xlane v3, v0;
	_ =	sdelay $0x1  }
0x15f: {  	v4 =	vadd.s32 v1, v4;
	_ =	sdelay $0x3  }
0x160: {  	s10 =	simm.s32 $0x4200  }
0x161: {  	[tilespmem:s10], [sflag:$0x1] =	stream.indirect_vreg.gather [hbm4b:s2+s3], $0x80, v4, vm0, $0xb8;
	[tilespmem:$0x18200] =	vst v63  }
0x162: {  	s11 =	simm.s32 $0x4A00;
	v3 =	vperm.xlane v3, v2  }
0x163: {  	[tilespmem:s11], [sflag:$0x1] =	stream.indirect_vreg.gather [hbm4b:s5+s3], $0x80, v4, vm0, $0xb8;
	[tilespmem:$0x18200] =	vst v63  }
0x164: {  	s12 =	simm.s32 $0x5200;
	v3 =	vadd.s32 v1, v3  }
0x165: {  	[tilespmem:s12], [sflag:$0x1] =	stream.indirect_vreg.gather [hbm4b:s6+s3], $0x80, v4, vm0, $0xb8;
	[tilespmem:$0x18200] =	vst v63  }
0x166: {  	s13 =	simm.s32 $0x5A00  }
0x167: {  	[tilespmem:s13], [sflag:$0x1] =	stream.indirect_vreg.gather [hbm4b:s7+s3], $0x80, v4, vm0, $0xb8;
	[tilespmem:$0x18200] =	vst v63  }
0x168: {  	s14 =	simm.s32 $0x6200  }
0x169: {  	[tilespmem:s14], [sflag:$0x1] =	stream.indirect_vreg.gather [hbm4b:s2+s3], $0x80, v3, vm0, $0xb8;
	[tilespmem:$0x18200] =	vst v63  }
0x16a: {  	s20 =	simm.s32 $0x6A00  }
0x16b: {  	[tilespmem:s20], [sflag:$0x1] =	stream.indirect_vreg.gather [hbm4b:s5+s3], $0x80, v3, vm0, $0xb8;
	[tilespmem:$0x18200] =	vst v63  }
0x16c: {  	s22 =	simm.s32 $0x7200  }
0x16d: {  	[tilespmem:s22], [sflag:$0x1] =	stream.indirect_vreg.gather [hbm4b:s6+s3], $0x80, v3, vm0, $0xb8;
	[tilespmem:$0x18200] =	vst v63  }
0x16e: {  	s23 =	simm.s32 $0x7A00  }
0x16f: {  	[tilespmem:s23], [sflag:$0x1] =	stream.indirect_vreg.gather [hbm4b:s7+s3], $0x80, v3, vm0, $0xb8;
	[tilespmem:$0x18200] =	vst v63  }
0x170: {  	_ =	swait.ge [sflag:s31], $0x8000  }
0x171: {  	[sflag:s31] =	ssyncset.done $0x0  }
0x172: {  	s24 =	rddreg [dreg:$0x8];
	[sflag:s31] =	ssyncadd.s32 $0xFFFF8000  }
0x173: {  	[hbm4b:s24+s3] =	stream.linear.scatter [tilespmem:s15], [sflag:$0x5], $0x8000, $0x38;
	[tilespmem:$0x18200] =	vst v63  }
0x174: {  	_ =	swait.ge [sflag:s18], $0x8000  }
0x175: {  	[sflag:s18] =	ssyncset.done $0x0  }
0x176: {  	s25 =	rddreg [dreg:$0x9];
	[sflag:s18] =	ssyncadd.s32 $0xFFFF8000  }
0x177: {  	[hbm4b:s25+s3] =	stream.linear.scatter [tilespmem:s21], [sflag:$0x6], $0x8000, $0x38;
	[tilespmem:$0x18200] =	vst v63  }
0x178: {  	_ =	swait.ge [sflag:s30], $0x8000  }
0x179: {  	[sflag:s30] =	ssyncset.done $0x0  }
0x17a: {  	s26 =	rddreg [dreg:$0xa];
	[sflag:s30] =	ssyncadd.s32 $0xFFFF8000  }
0x17b: {  	[hbm4b:s26+s3] =	stream.linear.scatter [tilespmem:s1], [sflag:$0x4], $0x8000, $0x38;
	[tilespmem:$0x18200] =	vst v63  }
0x17c: {  	_ =	swait.ge [sflag:s17], $0x8000  }
0x17d: {  	[sflag:s17] =	ssyncset.done $0x0  }
0x17e: {  	[sflag:s17] =	ssyncadd.s32 $0xFFFF8000  }
0x17f: {  	_ =	swait.ge [sflag:s19], $0x8000  }
0x180: {  	[sflag:s19] =	ssyncset.done $0x0  }
0x181: {  	[sflag:s19] =	ssyncadd.s32 $0xFFFF8000  }
0x182: {  	_ =	swait.ge [sflag:s16], $0x8000  }
0x183: {  	s8 =	rddreg [dreg:$0xc]  }
0x184: {  	s29 =	simm.s32 $0xFA00;
	s28 =	rddreg [dreg:$0xb];
	s8 =	sadd.s32 $0x1, s8  }
0x185: {  	s4 =	simm.s32 $0xAA00;
	s9 =	simm.s32 $0xDA00;
	p0 =	sne.s32 s8, s28  }
.Ltmp1:
0x186: {  	s10 =	simm.s32 $0x8A00;
	s11 =	simm.s32 $0x9A00;
	(pc) =	sbr.rel @p0 .LBB2_1-.Ltmp1, $4  }
0x187: {  	s12 =	simm.s32 $0xBA00;
	s13 =	simm.s32 $0xCA00;
	s14 =	simm.s32 $0xEA00  }
0x188: {  	s20 =	simm.s32 $0x9200;
	s22 =	simm.s32 $0xA200;
	s23 =	simm.s32 $0xB200  }
0x189: {  	s24 =	simm.s32 $0xC200;
	s25 =	simm.s32 $0xD200;
	[sflag:s16] =	ssyncset.done $0x0  }
0x18a: {  	s26 =	simm.s32 $0xE200;
	s1 =	simm.s32 $0xF200;
	[sflag:s16] =	ssyncadd.s32 $0xFFFF8000  }
0x18b: {  	_ =	sfence.sel $0x180000  }
0x18c: {  	[bflag:$0x0] =	sbarrier.arrive $0xFFFF  }
0x18d: {  	_ =	strace $0x90000047  }
0x18e: {  	s0 =	stileid.u32;
	[bflag:$0x2] =	sbarrier.arrive $0xFFFF  }
0x18f: {  	p0 =	sne.s32 s0, $0x0;
	s0 =	rddreg [dreg:$0x3]  }
0x190: {  	s0 =	sadd.s32 @!p0 $0x100000, s0  }
0x191: {  	[sflag:s0] =	ssyncadd.tile.s32 @!p0 $0x1;
	_ =	shalt  }
.Lfunc_end2:
_tile_overlayer_lowered:
.L_overlay_start_2:
0x192: {  	(tag) =	ssettag $0x2  }
0x193: {  	s0 =	rddreg [dreg:$0x0];
	s2 =	stileid.u32  }
0x194: {  	s1 =	rddreg [dreg:$0x1];
	p0 =	sne.s32 s2, $0x0  }
0x195: {  	s3 =	rddreg [dreg:$0x2];
	[bflag:$0x3] =	sbarrier.arrive $0xFFFF;
	s2 =	simm.s32 @!p0 $0x1C07  }
0x196: {  	[timem:s3], [sflag:s2] =	dma.local @!p0 [hbm:s0], s1  }
0x197: {  	s0 =	simm.s32 @!p0 $0x7  }
0x198: {  	_ =	swait.ge @!p0 [sflag:s0], s1  }
0x199: {  	s1 =	ssub.s32 @!p0 $0x0, s1;
	[sflag:s0] =	ssyncset.done @!p0 $0x0  }
0x19a: {  	[sflag:s0] =	ssyncadd.s32 @!p0 s1  }
0x19b: {  	[bflag:$0x3] =	sbarrier.arrive $0xFFFF  }
0x19c: {  	_ =	shalt  }

</sc_bundles>
